<compile_context>
chip_gen: v7x
topology: tpu7x:2x2x1
jax: 0.10.2.dev20260603
libtpu: 0.0.44.dev20260713+nightly
codegen_flags: <defaults>
</compile_context>

<pallas_src>
import functools
import math

import jax
import jax.numpy as jnp
from jax import lax
from jax.experimental import pallas as pl
from jax.experimental.pallas import tpu as pltpu
from jax.experimental.pallas import tpu_sc as plsc

N, C, H, W_DIM = 8, 256, 100, 252
HIDDEN = 256
HW = H * W_DIM
K = max(int(math.ceil(HW * 0.2)), 1)
LANES = 16
SEG = HW // LANES
NBINS = 1024
NPASS = 3
UNROLL = 5
SCORE_BLK = 2520
MASK_BLK = 3150



SCORE_HB = 8


def _score_body(x_ref, w1_ref, b1_ref, w2_ref, b2_ref, s_ref):
  w1 = w1_ref[...]
  w2 = w2_ref[...]
  for i in range(SCORE_HB):
    xs = x_ref[0, :, i, :]
    hdn = lax.dot_general(w1, xs, (((0,), (0,)), ((), ())),
                          preferred_element_type=jnp.float32)
    hdn = jnp.maximum(hdn + b1_ref[...], 0.0)
    z = lax.dot_general(w2, hdn, (((0,), (0,)), ((), ())),
                        preferred_element_type=jnp.float32)
    s_ref[0, pl.ds(i, 1), :] = jax.nn.sigmoid(z + b2_ref[...])


def _scores(x, W1, b1, W2, b2):
  return pl.pallas_call(
      _score_body,
      grid=(N, (H + SCORE_HB - 1) // SCORE_HB),
      in_specs=[
          pl.BlockSpec((1, C, SCORE_HB, W_DIM), lambda n, j: (n, 0, j, 0)),
          pl.BlockSpec((C, HIDDEN), lambda n, j: (0, 0)),
          pl.BlockSpec((HIDDEN, 1), lambda n, j: (0, 0)),
          pl.BlockSpec((HIDDEN, 1), lambda n, j: (0, 0)),
          pl.BlockSpec((1, 1), lambda n, j: (0, 0)),
      ],
      out_specs=pl.BlockSpec((1, SCORE_HB, W_DIM), lambda n, j: (n, j, 0)),
      out_shape=jax.ShapeDtypeStruct((N, H, W_DIM), jnp.float32),
  )(x, W1, b1.reshape(HIDDEN, 1), W2, b2.reshape(1, 1))



SC_CORES = 2
SC_SUBCORES = 16


def _sort_body(sbits_hbm, tk_hbm, wmap_hbm, ka, va, kb, vb, offs):
  wid = lax.axis_index("s") * SC_CORES + lax.axis_index("c")

  @pl.when(wid < N)
  def _():
    a = wid
    lane = lax.iota(jnp.int32, LANES)
    seg_base = lane * SEG
    ones16 = jnp.ones((LANES,), jnp.int32)
    zero16 = jnp.zeros((LANES,), jnp.int32)

    pltpu.sync_copy(sbits_hbm.at[pl.ds(a * HW, HW)], kb)

    def _init(t, _):
      for j in range(UNROLL):
        sl = pl.ds((t * UNROLL + j) * LANES, LANES)
        ka[sl] = ~kb[sl]
        va[sl] = (t * UNROLL + j) * LANES + lane
      return 0
    lax.fori_loop(0, HW // LANES // UNROLL, _init, 0)

    bufs = [(ka, va, kb, vb), (kb, vb, ka, va), (ka, va, kb, vb)]
    for p, (kin, vin, kout, vout) in enumerate(bufs):
      shift = 10 * p

      def _zero(i, _):
        for j in range(4):
          offs[pl.ds((i * 4 + j) * LANES, LANES)] = zero16
        return 0
      lax.fori_loop(0, NBINS // 4, _zero, 0)

      def _hist(t, _, kin=kin, shift=shift):
        for j in range(UNROLL):
          k16 = plsc.load_gather(kin, [seg_base + (t * UNROLL + j)])
          d = lax.shift_right_logical(k16, shift) & 0x3FF
          plsc.addupdate_scatter(offs, [d * LANES + lane], ones16)
        return 0
      lax.fori_loop(0, SEG // UNROLL, _hist, 0)

      def _scan(i, run):
        for j in range(4):
          sl = pl.ds((i * 4 + j) * LANES, LANES)
          v = offs[sl]
          offs[sl] = run + plsc.cumsum(v) - v
          run = run + jnp.sum(v)
        return run
      lax.fori_loop(0, NBINS // 4, _scan, jnp.int32(0))

      def _place(t, _, kin=kin, vin=vin, kout=kout, vout=vout, shift=shift):
        for j in range(UNROLL):
          idx = seg_base + (t * UNROLL + j)
          k16 = plsc.load_gather(kin, [idx])
          v16 = plsc.load_gather(vin, [idx])
          d = lax.shift_right_logical(k16, shift) & 0x3FF
          addr = d * LANES + lane
          pos = plsc.load_gather(offs, [addr])
          plsc.store_scatter(kout, [pos], k16)
          plsc.store_scatter(vout, [pos], v16)
          plsc.addupdate_scatter(offs, [addr], ones16)
        return 0
      lax.fori_loop(0, SEG // UNROLL, _place, 0)

    def _vals(j, _):
      for i in range(UNROLL):
        sl = pl.ds((j * UNROLL + i) * LANES, LANES)
        ka[sl] = ~kb[sl]
      return 0
    lax.fori_loop(0, K // LANES // UNROLL, _vals, 0)
    pltpu.sync_copy(ka.at[pl.ds(0, K)], tk_hbm.at[pl.ds(a * K, K)])

    def _wzero(t, _):
      for j in range(UNROLL):
        va[pl.ds((t * UNROLL + j) * LANES, LANES)] = zero16
      return 0
    lax.fori_loop(0, HW // LANES // UNROLL, _wzero, 0)

    def _wscat(j, _):
      for i in range(UNROLL):
        sl = pl.ds((j * UNROLL + i) * LANES, LANES)
        plsc.store_scatter(va, [vb[sl]], ~kb[sl])
      return 0
    lax.fori_loop(0, K // LANES // UNROLL, _wscat, 0)
    pltpu.sync_copy(va, wmap_hbm.at[pl.ds(a * HW, HW)])


def _topk(sbits):
  mesh = plsc.VectorSubcoreMesh(core_axis_name="c", subcore_axis_name="s",
                                num_cores=SC_CORES, num_subcores=SC_SUBCORES)
  f = pl.kernel(
      _sort_body,
      out_type=(jax.ShapeDtypeStruct((N * K,), jnp.int32),
                jax.ShapeDtypeStruct((N * HW,), jnp.int32)),
      mesh=mesh,
      compiler_params=pltpu.CompilerParams(needs_layout_passes=False),
      scratch_types=[
          pltpu.VMEM((HW,), jnp.int32),
          pltpu.VMEM((HW,), jnp.int32),
          pltpu.VMEM((HW,), jnp.int32),
          pltpu.VMEM((HW,), jnp.int32),
          pltpu.VMEM((NBINS * LANES,), jnp.int32),
      ],
  )
  return f(sbits)



MASK_CBLK = 32


def _mask_body(x_ref, w_ref, o_ref):
  o_ref[0] = x_ref[0] * w_ref[...]


def _mask_mul(x, wmap_hw):
  return pl.pallas_call(
      _mask_body,
      grid=(N, C // MASK_CBLK),
      in_specs=[
          pl.BlockSpec((1, MASK_CBLK, H, W_DIM), lambda n, j: (n, j, 0, 0)),
          pl.BlockSpec((1, H, W_DIM), lambda n, j: (n, 0, 0)),
      ],
      out_specs=pl.BlockSpec((1, MASK_CBLK, H, W_DIM), lambda n, j: (n, j, 0, 0)),
      out_shape=jax.ShapeDtypeStruct((N, C, H, W_DIM), jnp.float32),
  )(x, wmap_hw)


def kernel(x, W1, b1, W2, b2):
  scores = _scores(x, W1, b1, W2, b2)
  sbits = lax.bitcast_convert_type(scores, jnp.int32).reshape(N * HW)
  tk_bits, w_bits = _topk(sbits)
  topk_vals = lax.bitcast_convert_type(tk_bits.reshape(N, K), jnp.float32)
  wmap_hw = lax.bitcast_convert_type(w_bits.reshape(N, H, W_DIM), jnp.float32)
  sparse = _mask_mul(x, wmap_hw)
  return sparse, topk_vals

# --- scband reference (transcript-rebuilt; emitter-appended) ---
"""Pipeline reference for scband-ermvp-66013647339868 (READ-ONLY COPY).

The authoritative reference and input builder live on the scoring server;
editing this copy changes nothing except your own understanding.
"""

import jax, jax.numpy as jnp
import numpy as np
import math

TOPK_RATIO = 0.2
N, C, H, W = 8, 256, 100, 252
HIDDEN = 256

def setup_inputs(seed: int = 0) -> dict:
    key = jax.random.key(seed)
    k1, k2, k3 = jax.random.split(key, 3)
    x = jax.random.normal(k1, (N, C, H, W), dtype=jnp.float32)
    W1 = jax.random.normal(k2, (C, HIDDEN), dtype=jnp.float32) * (1.0 / math.sqrt(C))
    b1 = jnp.zeros((HIDDEN,), dtype=jnp.float32)
    W2 = jax.random.normal(k3, (HIDDEN, 1), dtype=jnp.float32) * (1.0 / math.sqrt(HIDDEN))
    b2 = jnp.zeros((1,), dtype=jnp.float32)
    return {"x": x, "W1": W1, "b1": b1, "W2": W2, "b2": b2}

def reference(x, W1, b1, W2, b2):
    # Core ERMVP SortSampler top-k masking kernel:
    # 2-layer FC score head over every spatial position, sigmoid confidence,
    # top-k selection of HW positions per agent, gather selected features
    # (confidence-weighted), then scatter them back into a sparse BEV map
    # (mirrors `spatial_feature[:, pos_embed[cav].long()] = src[cav]`).
    n, c, h, w = x.shape
    hw = h * w
    feat = x.reshape(n, c, hw).transpose(0, 2, 1)          # [N, HW, C]
    hdn = jax.nn.relu(feat @ W1 + b1)                      # [N, HW, HIDDEN]
    scores = jax.nn.sigmoid((hdn @ W2 + b2)[..., 0])       # [N, HW]
    k = max(int(math.ceil(hw * TOPK_RATIO)), 1)
    topk_vals, topk_idx = jax.lax.top_k(scores, k)         # [N, k]
    src = jnp.take_along_axis(feat, topk_idx[..., None], axis=1)  # [N, k, C] gather
    src = src * topk_vals[..., None]                       # confidence weighting
    sparse = jnp.zeros((n, hw, c), dtype=x.dtype)
    batch_idx = jnp.arange(n)[:, None]
    sparse = sparse.at[batch_idx, topk_idx].set(src)       # scatter-overwrite
    sparse = sparse.transpose(0, 2, 1).reshape(n, c, h, w)
    return (sparse, topk_vals)

if __name__ == "__main__":
    import jax
    _d = setup_inputs()
    print(jax.jit(kernel)(*tuple(_d.values())))

</pallas_src>

<mosaic_0001>
#map = affine_map<(d0, d1) -> (0)>
module attributes {stable_mosaic.version = 14 : i64} {
  func.func @_sort_body(%arg0: i32, %arg1: i32, %arg2: memref<201600xi32, #tpu.memory_space<hbm>>, %arg3: memref<40320xi32, #tpu.memory_space<hbm>>, %arg4: memref<201600xi32, #tpu.memory_space<hbm>>, %arg5: memref<25200xi32, #tpu.memory_space<vmem>>, %arg6: memref<25200xi32, #tpu.memory_space<vmem>>, %arg7: memref<25200xi32, #tpu.memory_space<vmem>>, %arg8: memref<25200xi32, #tpu.memory_space<vmem>>, %arg9: memref<16384xi32, #tpu.memory_space<vmem>>) attributes {dimension_semantics = [#tpu.dimension_semantics<core_parallel>, #tpu.dimension_semantics<subcore_parallel>], iteration_bounds = array<i64: 2, 16>, scalar_prefetch = 0 : i64, scratch_operands = 5 : i64, tpu.core_type = #tpu.core_type<sc_vector_subcore>, window_params = [{transform_indices = #map}, {transform_indices = #map}, {transform_indices = #map}]} {
    %mul3A = arith.constant 2 : i32
    %mul3A_0 = arith.muli %arg1, %mul3A : i32
    %add3A = arith.addi %mul3A_0, %arg0 : i32
    %lt3A = arith.constant 8 : i32
    %lt3A_1 = arith.cmpi slt, %add3A, %lt3A : i32
    %convert_element_type3A = arith.extui %lt3A_1 : i1 to i32
    %cond3A = arith.constant 0 : i32
    %cond3A_2 = arith.cmpi ne, %convert_element_type3A, %cond3A : i32
    scf.if %cond3A_2 {
      %iota3A = tpu.iota {dimensions = array<i32: 0>} : vector<16xi32>
      %mul3A_3 = arith.constant 1575 : i32
      %mul3A_4 = vector.broadcast %mul3A_3 : i32 to vector<16xi32>
      %mul3A_5 = arith.muli %iota3A, %mul3A_4 : vector<16xi32>
      %broadcast_in_dim3A = arith.constant 1 : i32
      %broadcast_in_dim3A_6 = vector.broadcast %broadcast_in_dim3A : i32 to vector<16xi32>
      %broadcast_in_dim3A_7 = arith.constant 0 : i32
      %broadcast_in_dim3A_8 = vector.broadcast %broadcast_in_dim3A_7 : i32 to vector<16xi32>
      %mul3A_9 = arith.constant 25200 : i32
      %mul3A_10 = arith.muli %add3A, %mul3A_9 : i32
      "tpu.region"() ({
        %run_scoped3A = tpu.sem_alloc : memref<!tpu.dma_semaphore, #tpu.memory_space<semaphore_mem>>
        %dma_start3A = tpu.memref_slice %arg2[%mul3A_10] : memref<201600xi32, #tpu.memory_space<hbm>> -> memref<25200xi32, #tpu.memory_space<hbm>>
        %dma_start3A_126 = tpu.memref_slice %arg2[%mul3A_10] : memref<201600xi32, #tpu.memory_space<hbm>> -> memref<25200xi32, #tpu.memory_space<hbm>>
        tpu.enqueue_dma source(%dma_start3A_126 : memref<25200xi32, #tpu.memory_space<hbm>>) target(%arg7 : memref<25200xi32, #tpu.memory_space<vmem>>) target_semaphore(%run_scoped3A : memref<!tpu.dma_semaphore, #tpu.memory_space<semaphore_mem>>)
        %dma_wait3A = tpu.memref_slice %arg2[%mul3A_10] : memref<201600xi32, #tpu.memory_space<hbm>> -> memref<25200xi32, #tpu.memory_space<hbm>>
        %dma_wait3A_127 = tpu.memref_slice %arg2[%mul3A_10] : memref<201600xi32, #tpu.memory_space<hbm>> -> memref<25200xi32, #tpu.memory_space<hbm>>
        tpu.wait_dma2 semaphore(%run_scoped3A : memref<!tpu.dma_semaphore, #tpu.memory_space<semaphore_mem>>) src(%dma_wait3A_127 : memref<25200xi32, #tpu.memory_space<hbm>>) dst(%arg7 : memref<25200xi32, #tpu.memory_space<vmem>>)
        tpu.yield
      }) : () -> ()
      %scan3A = arith.constant 0 : i32
      %scan3A_11 = arith.constant 0 : i32
      %scan3A_12 = arith.constant 315 : i32
      %scan3A_13 = arith.addi %scan3A_11, %scan3A_12 : i32
      %scan3A_14 = arith.constant 1 : i32
      %scan3A_15 = scf.for %scan3A_126 = %scan3A_11 to %scan3A_13 step %scan3A_14 iter_args(%scan3A_127 = %scan3A) -> (i32)  : i32 {
        %mul3A_128 = arith.constant 5 : i32
        %mul3A_129 = arith.muli %scan3A_126, %mul3A_128 : i32
        %add3A_130 = arith.constant 0 : i32
        %add3A_131 = arith.addi %mul3A_129, %add3A_130 : i32
        %mul3A_132 = arith.constant 16 : i32
        %mul3A_133 = arith.muli %add3A_131, %mul3A_132 : i32
        %get3A = arith.index_cast %mul3A_133 : i32 to index
        %get3A_134 = tpu.vector_load %arg7[%get3A] {strides = array<i32>} : memref<25200xi32, #tpu.memory_space<vmem>>, vector<16xi32>,
        %not3A = arith.constant dense<-1> : vector<16xi32>
        %not3A_135 = arith.xori %get3A_134, %not3A : vector<16xi32>
        %swap3A = arith.index_cast %mul3A_133 : i32 to index
        %swap3A_136 = tpu.vector_load %arg5[%swap3A] {strides = array<i32>} : memref<25200xi32, #tpu.memory_space<vmem>>, vector<16xi32>,
        tpu.vector_store %arg5[%swap3A], %not3A_135 {strides = array<i32>} : memref<25200xi32, #tpu.memory_space<vmem>>, vector<16xi32>,
        %mul3A_137 = arith.constant 5 : i32
        %mul3A_138 = arith.muli %scan3A_126, %mul3A_137 : i32
        %add3A_139 = arith.constant 0 : i32
        %add3A_140 = arith.addi %mul3A_138, %add3A_139 : i32
        %mul3A_141 = arith.constant 16 : i32
        %mul3A_142 = arith.muli %add3A_140, %mul3A_141 : i32
        %add3A_143 = vector.broadcast %mul3A_142 : i32 to vector<16xi32>
        %add3A_144 = arith.addi %add3A_143, %iota3A : vector<16xi32>
        %swap3A_145 = arith.index_cast %mul3A_133 : i32 to index
        %swap3A_146 = tpu.vector_load %arg6[%swap3A_145] {strides = array<i32>} : memref<25200xi32, #tpu.memory_space<vmem>>, vector<16xi32>,
        tpu.vector_store %arg6[%swap3A_145], %add3A_144 {strides = array<i32>} : memref<25200xi32, #tpu.memory_space<vmem>>, vector<16xi32>,
        %mul3A_147 = arith.constant 5 : i32
        %mul3A_148 = arith.muli %scan3A_126, %mul3A_147 : i32
        %add3A_149 = arith.constant 1 : i32
        %add3A_150 = arith.addi %mul3A_148, %add3A_149 : i32
        %mul3A_151 = arith.constant 16 : i32
        %mul3A_152 = arith.muli %add3A_150, %mul3A_151 : i32
        %get3A_153 = arith.index_cast %mul3A_152 : i32 to index
        %get3A_154 = tpu.vector_load %arg7[%get3A_153] {strides = array<i32>} : memref<25200xi32, #tpu.memory_space<vmem>>, vector<16xi32>,
        %not3A_155 = arith.constant dense<-1> : vector<16xi32>
        %not3A_156 = arith.xori %get3A_154, %not3A_155 : vector<16xi32>
        %swap3A_157 = arith.index_cast %mul3A_152 : i32 to index
        %swap3A_158 = tpu.vector_load %arg5[%swap3A_157] {strides = array<i32>} : memref<25200xi32, #tpu.memory_space<vmem>>, vector<16xi32>,
        tpu.vector_store %arg5[%swap3A_157], %not3A_156 {strides = array<i32>} : memref<25200xi32, #tpu.memory_space<vmem>>, vector<16xi32>,
        %mul3A_159 = arith.constant 5 : i32
        %mul3A_160 = arith.muli %scan3A_126, %mul3A_159 : i32
        %add3A_161 = arith.constant 1 : i32
        %add3A_162 = arith.addi %mul3A_160, %add3A_161 : i32
        %mul3A_163 = arith.constant 16 : i32
        %mul3A_164 = arith.muli %add3A_162, %mul3A_163 : i32
        %add3A_165 = vector.broadcast %mul3A_164 : i32 to vector<16xi32>
        %add3A_166 = arith.addi %add3A_165, %iota3A : vector<16xi32>
        %swap3A_167 = arith.index_cast %mul3A_152 : i32 to index
        %swap3A_168 = tpu.vector_load %arg6[%swap3A_167] {strides = array<i32>} : memref<25200xi32, #tpu.memory_space<vmem>>, vector<16xi32>,
        tpu.vector_store %arg6[%swap3A_167], %add3A_166 {strides = array<i32>} : memref<25200xi32, #tpu.memory_space<vmem>>, vector<16xi32>,
        %mul3A_169 = arith.constant 5 : i32
        %mul3A_170 = arith.muli %scan3A_126, %mul3A_169 : i32
        %add3A_171 = arith.constant 2 : i32
        %add3A_172 = arith.addi %mul3A_170, %add3A_171 : i32
        %mul3A_173 = arith.constant 16 : i32
        %mul3A_174 = arith.muli %add3A_172, %mul3A_173 : i32
        %get3A_175 = arith.index_cast %mul3A_174 : i32 to index
        %get3A_176 = tpu.vector_load %arg7[%get3A_175] {strides = array<i32>} : memref<25200xi32, #tpu.memory_space<vmem>>, vector<16xi32>,
        %not3A_177 = arith.constant dense<-1> : vector<16xi32>
        %not3A_178 = arith.xori %get3A_176, %not3A_177 : vector<16xi32>
        %swap3A_179 = arith.index_cast %mul3A_174 : i32 to index
        %swap3A_180 = tpu.vector_load %arg5[%swap3A_179] {strides = array<i32>} : memref<25200xi32, #tpu.memory_space<vmem>>, vector<16xi32>,
        tpu.vector_store %arg5[%swap3A_179], %not3A_178 {strides = array<i32>} : memref<25200xi32, #tpu.memory_space<vmem>>, vector<16xi32>,
        %mul3A_181 = arith.constant 5 : i32
        %mul3A_182 = arith.muli %scan3A_126, %mul3A_181 : i32
        %add3A_183 = arith.constant 2 : i32
        %add3A_184 = arith.addi %mul3A_182, %add3A_183 : i32
        %mul3A_185 = arith.constant 16 : i32
        %mul3A_186 = arith.muli %add3A_184, %mul3A_185 : i32
        %add3A_187 = vector.broadcast %mul3A_186 : i32 to vector<16xi32>
        %add3A_188 = arith.addi %add3A_187, %iota3A : vector<16xi32>
        %swap3A_189 = arith.index_cast %mul3A_174 : i32 to index
        %swap3A_190 = tpu.vector_load %arg6[%swap3A_189] {strides = array<i32>} : memref<25200xi32, #tpu.memory_space<vmem>>, vector<16xi32>,
        tpu.vector_store %arg6[%swap3A_189], %add3A_188 {strides = array<i32>} : memref<25200xi32, #tpu.memory_space<vmem>>, vector<16xi32>,
        %mul3A_191 = arith.constant 5 : i32
        %mul3A_192 = arith.muli %scan3A_126, %mul3A_191 : i32
        %add3A_193 = arith.constant 3 : i32
        %add3A_194 = arith.addi %mul3A_192, %add3A_193 : i32
        %mul3A_195 = arith.constant 16 : i32
        %mul3A_196 = arith.muli %add3A_194, %mul3A_195 : i32
        %get3A_197 = arith.index_cast %mul3A_196 : i32 to index
        %get3A_198 = tpu.vector_load %arg7[%get3A_197] {strides = array<i32>} : memref<25200xi32, #tpu.memory_space<vmem>>, vector<16xi32>,
        %not3A_199 = arith.constant dense<-1> : vector<16xi32>
        %not3A_200 = arith.xori %get3A_198, %not3A_199 : vector<16xi32>
        %swap3A_201 = arith.index_cast %mul3A_196 : i32 to index
        %swap3A_202 = tpu.vector_load %arg5[%swap3A_201] {strides = array<i32>} : memref<25200xi32, #tpu.memory_space<vmem>>, vector<16xi32>,
        tpu.vector_store %arg5[%swap3A_201], %not3A_200 {strides = array<i32>} : memref<25200xi32, #tpu.memory_space<vmem>>, vector<16xi32>,
        %mul3A_203 = arith.constant 5 : i32
        %mul3A_204 = arith.muli %scan3A_126, %mul3A_203 : i32
        %add3A_205 = arith.constant 3 : i32
        %add3A_206 = arith.addi %mul3A_204, %add3A_205 : i32
        %mul3A_207 = arith.constant 16 : i32
        %mul3A_208 = arith.muli %add3A_206, %mul3A_207 : i32
        %add3A_209 = vector.broadcast %mul3A_208 : i32 to vector<16xi32>
        %add3A_210 = arith.addi %add3A_209, %iota3A : vector<16xi32>
        %swap3A_211 = arith.index_cast %mul3A_196 : i32 to index
        %swap3A_212 = tpu.vector_load %arg6[%swap3A_211] {strides = array<i32>} : memref<25200xi32, #tpu.memory_space<vmem>>, vector<16xi32>,
        tpu.vector_store %arg6[%swap3A_211], %add3A_210 {strides = array<i32>} : memref<25200xi32, #tpu.memory_space<vmem>>, vector<16xi32>,
        %mul3A_213 = arith.constant 5 : i32
        %mul3A_214 = arith.muli %scan3A_126, %mul3A_213 : i32
        %add3A_215 = arith.constant 4 : i32
        %add3A_216 = arith.addi %mul3A_214, %add3A_215 : i32
        %mul3A_217 = arith.constant 16 : i32
        %mul3A_218 = arith.muli %add3A_216, %mul3A_217 : i32
        %get3A_219 = arith.index_cast %mul3A_218 : i32 to index
        %get3A_220 = tpu.vector_load %arg7[%get3A_219] {strides = array<i32>} : memref<25200xi32, #tpu.memory_space<vmem>>, vector<16xi32>,
        %not3A_221 = arith.constant dense<-1> : vector<16xi32>
        %not3A_222 = arith.xori %get3A_220, %not3A_221 : vector<16xi32>
        %swap3A_223 = arith.index_cast %mul3A_218 : i32 to index
        %swap3A_224 = tpu.vector_load %arg5[%swap3A_223] {strides = array<i32>} : memref<25200xi32, #tpu.memory_space<vmem>>, vector<16xi32>,
        tpu.vector_store %arg5[%swap3A_223], %not3A_222 {strides = array<i32>} : memref<25200xi32, #tpu.memory_space<vmem>>, vector<16xi32>,
        %mul3A_225 = arith.constant 5 : i32
        %mul3A_226 = arith.muli %scan3A_126, %mul3A_225 : i32
        %add3A_227 = arith.constant 4 : i32
        %add3A_228 = arith.addi %mul3A_226, %add3A_227 : i32
        %mul3A_229 = arith.constant 16 : i32
        %mul3A_230 = arith.muli %add3A_228, %mul3A_229 : i32
        %add3A_231 = vector.broadcast %mul3A_230 : i32 to vector<16xi32>
        %add3A_232 = arith.addi %add3A_231, %iota3A : vector<16xi32>
        %swap3A_233 = arith.index_cast %mul3A_218 : i32 to index
        %swap3A_234 = tpu.vector_load %arg6[%swap3A_233] {strides = array<i32>} : memref<25200xi32, #tpu.memory_space<vmem>>, vector<16xi32>,
        tpu.vector_store %arg6[%swap3A_233], %add3A_232 {strides = array<i32>} : memref<25200xi32, #tpu.memory_space<vmem>>, vector<16xi32>,
        %scan3A_235 = arith.constant 0 : i32
        scf.yield %scan3A_235 : i32
      }
      %scan3A_16 = arith.constant 315 : i32
      %scan3A_17 = arith.constant 0 : i32
      %scan3A_18 = arith.constant 0 : i32
      %scan3A_19 = arith.constant 256 : i32
      %scan3A_20 = arith.addi %scan3A_18, %scan3A_19 : i32
      %scan3A_21 = arith.constant 1 : i32
      %scan3A_22 = scf.for %scan3A_126 = %scan3A_18 to %scan3A_20 step %scan3A_21 iter_args(%scan3A_127 = %scan3A_17) -> (i32)  : i32 {
        %mul3A_128 = arith.constant 4 : i32
        %mul3A_129 = arith.muli %scan3A_126, %mul3A_128 : i32
        %add3A_130 = arith.constant 0 : i32
        %add3A_131 = arith.addi %mul3A_129, %add3A_130 : i32
        %mul3A_132 = arith.constant 16 : i32
        %mul3A_133 = arith.muli %add3A_131, %mul3A_132 : i32
        %swap3A = arith.index_cast %mul3A_133 : i32 to index
        %swap3A_134 = tpu.vector_load %arg9[%swap3A] {strides = array<i32>} : memref<16384xi32, #tpu.memory_space<vmem>>, vector<16xi32>,
        tpu.vector_store %arg9[%swap3A], %broadcast_in_dim3A_8 {strides = array<i32>} : memref<16384xi32, #tpu.memory_space<vmem>>, vector<16xi32>,
        %mul3A_135 = arith.constant 4 : i32
        %mul3A_136 = arith.muli %scan3A_126, %mul3A_135 : i32
        %add3A_137 = arith.constant 1 : i32
        %add3A_138 = arith.addi %mul3A_136, %add3A_137 : i32
        %mul3A_139 = arith.constant 16 : i32
        %mul3A_140 = arith.muli %add3A_138, %mul3A_139 : i32
        %swap3A_141 = arith.index_cast %mul3A_140 : i32 to index
        %swap3A_142 = tpu.vector_load %arg9[%swap3A_141] {strides = array<i32>} : memref<16384xi32, #tpu.memory_space<vmem>>, vector<16xi32>,
        tpu.vector_store %arg9[%swap3A_141], %broadcast_in_dim3A_8 {strides = array<i32>} : memref<16384xi32, #tpu.memory_space<vmem>>, vector<16xi32>,
        %mul3A_143 = arith.constant 4 : i32
        %mul3A_144 = arith.muli %scan3A_126, %mul3A_143 : i32
        %add3A_145 = arith.constant 2 : i32
        %add3A_146 = arith.addi %mul3A_144, %add3A_145 : i32
        %mul3A_147 = arith.constant 16 : i32
        %mul3A_148 = arith.muli %add3A_146, %mul3A_147 : i32
        %swap3A_149 = arith.index_cast %mul3A_148 : i32 to index
        %swap3A_150 = tpu.vector_load %arg9[%swap3A_149] {strides = array<i32>} : memref<16384xi32, #tpu.memory_space<vmem>>, vector<16xi32>,
        tpu.vector_store %arg9[%swap3A_149], %broadcast_in_dim3A_8 {strides = array<i32>} : memref<16384xi32, #tpu.memory_space<vmem>>, vector<16xi32>,
        %mul3A_151 = arith.constant 4 : i32
        %mul3A_152 = arith.muli %scan3A_126, %mul3A_151 : i32
        %add3A_153 = arith.constant 3 : i32
        %add3A_154 = arith.addi %mul3A_152, %add3A_153 : i32
        %mul3A_155 = arith.constant 16 : i32
        %mul3A_156 = arith.muli %add3A_154, %mul3A_155 : i32
        %swap3A_157 = arith.index_cast %mul3A_156 : i32 to index
        %swap3A_158 = tpu.vector_load %arg9[%swap3A_157] {strides = array<i32>} : memref<16384xi32, #tpu.memory_space<vmem>>, vector<16xi32>,
        tpu.vector_store %arg9[%swap3A_157], %broadcast_in_dim3A_8 {strides = array<i32>} : memref<16384xi32, #tpu.memory_space<vmem>>, vector<16xi32>,
        %scan3A_159 = arith.constant 0 : i32
        scf.yield %scan3A_159 : i32
      }
      %scan3A_23 = arith.constant 256 : i32
      %scan3A_24 = arith.constant 0 : i32
      %scan3A_25 = arith.constant 0 : i32
      %scan3A_26 = arith.constant 315 : i32
      %scan3A_27 = arith.addi %scan3A_25, %scan3A_26 : i32
      %scan3A_28 = arith.constant 1 : i32
      %scan3A_29 = scf.for %scan3A_126 = %scan3A_25 to %scan3A_27 step %scan3A_28 iter_args(%scan3A_127 = %scan3A_24) -> (i32)  : i32 {
        %mul3A_128 = arith.constant 5 : i32
        %mul3A_129 = arith.muli %scan3A_126, %mul3A_128 : i32
        %add3A_130 = arith.constant 0 : i32
        %add3A_131 = arith.addi %mul3A_129, %add3A_130 : i32
        %add3A_132 = vector.broadcast %add3A_131 : i32 to vector<16xi32>
        %add3A_133 = arith.addi %mul3A_5, %add3A_132 : vector<16xi32>
        %gather3A = tpu.vector_load_idx %arg5[%add3A_133] : memref<25200xi32, #tpu.memory_space<vmem>>[vector<16xi32>], vector<16xi32>,
        %shift_right_logical3A = arith.constant 0 : i32
        %shift_right_logical3A_134 = vector.broadcast %shift_right_logical3A : i32 to vector<16xi32>
        %shift_right_logical3A_135 = arith.shrui %gather3A, %shift_right_logical3A_134 : vector<16xi32>
        %and3A = arith.constant 1023 : i32
        %and3A_136 = vector.broadcast %and3A : i32 to vector<16xi32>
        %and3A_137 = arith.andi %shift_right_logical3A_135, %and3A_136 : vector<16xi32>
        %mul3A_138 = arith.constant 16 : i32
        %mul3A_139 = vector.broadcast %mul3A_138 : i32 to vector<16xi32>
        %mul3A_140 = arith.muli %and3A_137, %mul3A_139 : vector<16xi32>
        %add3A_141 = arith.addi %mul3A_140, %iota3A : vector<16xi32>
        tpu.vector_store_idx %arg9[%add3A_141], %broadcast_in_dim3A_6 {add = true} : memref<16384xi32, #tpu.memory_space<vmem>>[vector<16xi32>], vector<16xi32>,
        %mul3A_142 = arith.constant 5 : i32
        %mul3A_143 = arith.muli %scan3A_126, %mul3A_142 : i32
        %add3A_144 = arith.constant 1 : i32
        %add3A_145 = arith.addi %mul3A_143, %add3A_144 : i32
        %add3A_146 = vector.broadcast %add3A_145 : i32 to vector<16xi32>
        %add3A_147 = arith.addi %mul3A_5, %add3A_146 : vector<16xi32>
        %gather3A_148 = tpu.vector_load_idx %arg5[%add3A_147] : memref<25200xi32, #tpu.memory_space<vmem>>[vector<16xi32>], vector<16xi32>,
        %shift_right_logical3A_149 = arith.constant 0 : i32
        %shift_right_logical3A_150 = vector.broadcast %shift_right_logical3A_149 : i32 to vector<16xi32>
        %shift_right_logical3A_151 = arith.shrui %gather3A_148, %shift_right_logical3A_150 : vector<16xi32>
        %and3A_152 = arith.constant 1023 : i32
        %and3A_153 = vector.broadcast %and3A_152 : i32 to vector<16xi32>
        %and3A_154 = arith.andi %shift_right_logical3A_151, %and3A_153 : vector<16xi32>
        %mul3A_155 = arith.constant 16 : i32
        %mul3A_156 = vector.broadcast %mul3A_155 : i32 to vector<16xi32>
        %mul3A_157 = arith.muli %and3A_154, %mul3A_156 : vector<16xi32>
        %add3A_158 = arith.addi %mul3A_157, %iota3A : vector<16xi32>
        tpu.vector_store_idx %arg9[%add3A_158], %broadcast_in_dim3A_6 {add = true} : memref<16384xi32, #tpu.memory_space<vmem>>[vector<16xi32>], vector<16xi32>,
        %mul3A_159 = arith.constant 5 : i32
        %mul3A_160 = arith.muli %scan3A_126, %mul3A_159 : i32
        %add3A_161 = arith.constant 2 : i32
        %add3A_162 = arith.addi %mul3A_160, %add3A_161 : i32
        %add3A_163 = vector.broadcast %add3A_162 : i32 to vector<16xi32>
        %add3A_164 = arith.addi %mul3A_5, %add3A_163 : vector<16xi32>
        %gather3A_165 = tpu.vector_load_idx %arg5[%add3A_164] : memref<25200xi32, #tpu.memory_space<vmem>>[vector<16xi32>], vector<16xi32>,
        %shift_right_logical3A_166 = arith.constant 0 : i32
        %shift_right_logical3A_167 = vector.broadcast %shift_right_logical3A_166 : i32 to vector<16xi32>
        %shift_right_logical3A_168 = arith.shrui %gather3A_165, %shift_right_logical3A_167 : vector<16xi32>
        %and3A_169 = arith.constant 1023 : i32
        %and3A_170 = vector.broadcast %and3A_169 : i32 to vector<16xi32>
        %and3A_171 = arith.andi %shift_right_logical3A_168, %and3A_170 : vector<16xi32>
        %mul3A_172 = arith.constant 16 : i32
        %mul3A_173 = vector.broadcast %mul3A_172 : i32 to vector<16xi32>
        %mul3A_174 = arith.muli %and3A_171, %mul3A_173 : vector<16xi32>
        %add3A_175 = arith.addi %mul3A_174, %iota3A : vector<16xi32>
        tpu.vector_store_idx %arg9[%add3A_175], %broadcast_in_dim3A_6 {add = true} : memref<16384xi32, #tpu.memory_space<vmem>>[vector<16xi32>], vector<16xi32>,
        %mul3A_176 = arith.constant 5 : i32
        %mul3A_177 = arith.muli %scan3A_126, %mul3A_176 : i32
        %add3A_178 = arith.constant 3 : i32
        %add3A_179 = arith.addi %mul3A_177, %add3A_178 : i32
        %add3A_180 = vector.broadcast %add3A_179 : i32 to vector<16xi32>
        %add3A_181 = arith.addi %mul3A_5, %add3A_180 : vector<16xi32>
        %gather3A_182 = tpu.vector_load_idx %arg5[%add3A_181] : memref<25200xi32, #tpu.memory_space<vmem>>[vector<16xi32>], vector<16xi32>,
        %shift_right_logical3A_183 = arith.constant 0 : i32
        %shift_right_logical3A_184 = vector.broadcast %shift_right_logical3A_183 : i32 to vector<16xi32>
        %shift_right_logical3A_185 = arith.shrui %gather3A_182, %shift_right_logical3A_184 : vector<16xi32>
        %and3A_186 = arith.constant 1023 : i32
        %and3A_187 = vector.broadcast %and3A_186 : i32 to vector<16xi32>
        %and3A_188 = arith.andi %shift_right_logical3A_185, %and3A_187 : vector<16xi32>
        %mul3A_189 = arith.constant 16 : i32
        %mul3A_190 = vector.broadcast %mul3A_189 : i32 to vector<16xi32>
        %mul3A_191 = arith.muli %and3A_188, %mul3A_190 : vector<16xi32>
        %add3A_192 = arith.addi %mul3A_191, %iota3A : vector<16xi32>
        tpu.vector_store_idx %arg9[%add3A_192], %broadcast_in_dim3A_6 {add = true} : memref<16384xi32, #tpu.memory_space<vmem>>[vector<16xi32>], vector<16xi32>,
        %mul3A_193 = arith.constant 5 : i32
        %mul3A_194 = arith.muli %scan3A_126, %mul3A_193 : i32
        %add3A_195 = arith.constant 4 : i32
        %add3A_196 = arith.addi %mul3A_194, %add3A_195 : i32
        %add3A_197 = vector.broadcast %add3A_196 : i32 to vector<16xi32>
        %add3A_198 = arith.addi %mul3A_5, %add3A_197 : vector<16xi32>
        %gather3A_199 = tpu.vector_load_idx %arg5[%add3A_198] : memref<25200xi32, #tpu.memory_space<vmem>>[vector<16xi32>], vector<16xi32>,
        %shift_right_logical3A_200 = arith.constant 0 : i32
        %shift_right_logical3A_201 = vector.broadcast %shift_right_logical3A_200 : i32 to vector<16xi32>
        %shift_right_logical3A_202 = arith.shrui %gather3A_199, %shift_right_logical3A_201 : vector<16xi32>
        %and3A_203 = arith.constant 1023 : i32
        %and3A_204 = vector.broadcast %and3A_203 : i32 to vector<16xi32>
        %and3A_205 = arith.andi %shift_right_logical3A_202, %and3A_204 : vector<16xi32>
        %mul3A_206 = arith.constant 16 : i32
        %mul3A_207 = vector.broadcast %mul3A_206 : i32 to vector<16xi32>
        %mul3A_208 = arith.muli %and3A_205, %mul3A_207 : vector<16xi32>
        %add3A_209 = arith.addi %mul3A_208, %iota3A : vector<16xi32>
        tpu.vector_store_idx %arg9[%add3A_209], %broadcast_in_dim3A_6 {add = true} : memref<16384xi32, #tpu.memory_space<vmem>>[vector<16xi32>], vector<16xi32>,
        %scan3A_210 = arith.constant 0 : i32
        scf.yield %scan3A_210 : i32
      }
      %scan3A_30 = arith.constant 315 : i32
      %scan3A_31 = arith.constant 0 : i32
      %scan3A_32 = arith.constant 0 : i32
      %scan3A_33 = arith.constant 256 : i32
      %scan3A_34 = arith.addi %scan3A_32, %scan3A_33 : i32
      %scan3A_35 = arith.constant 1 : i32
      %scan3A_36 = scf.for %scan3A_126 = %scan3A_32 to %scan3A_34 step %scan3A_35 iter_args(%scan3A_127 = %scan3A_31) -> (i32)  : i32 {
        %mul3A_128 = arith.constant 4 : i32
        %mul3A_129 = arith.muli %scan3A_126, %mul3A_128 : i32
        %add3A_130 = arith.constant 0 : i32
        %add3A_131 = arith.addi %mul3A_129, %add3A_130 : i32
        %mul3A_132 = arith.constant 16 : i32
        %mul3A_133 = arith.muli %add3A_131, %mul3A_132 : i32
        %get3A = arith.index_cast %mul3A_133 : i32 to index
        %get3A_134 = tpu.vector_load %arg9[%get3A] {strides = array<i32>} : memref<16384xi32, #tpu.memory_space<vmem>>, vector<16xi32>,
        %broadcast_in_dim3A_135 = arith.constant true
        %broadcast_in_dim3A_136 = vector.broadcast %broadcast_in_dim3A_135 : i1 to vector<16xi1>
        %masked_cumsum3A = tpu.scan <sum>, %get3A_134 masked %broadcast_in_dim3A_136 : vector<16xi32>, vector<16xi1> -> vector<16xi32>
        %add3A_137 = vector.broadcast %scan3A_127 : i32 to vector<16xi32>
        %add3A_138 = arith.addi %add3A_137, %masked_cumsum3A : vector<16xi32>
        %sub3A = arith.subi %add3A_138, %get3A_134 : vector<16xi32>
        %swap3A = arith.index_cast %mul3A_133 : i32 to index
        %swap3A_139 = tpu.vector_load %arg9[%swap3A] {strides = array<i32>} : memref<16384xi32, #tpu.memory_space<vmem>>, vector<16xi32>,
        tpu.vector_store %arg9[%swap3A], %sub3A {strides = array<i32>} : memref<16384xi32, #tpu.memory_space<vmem>>, vector<16xi32>,
        %reduce_sum3A = arith.constant true
        %reduce_sum3A_140 = vector.broadcast %reduce_sum3A : i1 to vector<16xi1>
        %reduce_sum3A_141 = tpu.scan <sum>, %get3A_134 masked %reduce_sum3A_140 : vector<16xi32>, vector<16xi1> -> vector<16xi32>
        %reduce_sum3A_142 = vector.extract %reduce_sum3A_141[15] : i32 from vector<16xi32>
        %add3A_143 = arith.addi %scan3A_127, %reduce_sum3A_142 : i32
        %mul3A_144 = arith.constant 4 : i32
        %mul3A_145 = arith.muli %scan3A_126, %mul3A_144 : i32
        %add3A_146 = arith.constant 1 : i32
        %add3A_147 = arith.addi %mul3A_145, %add3A_146 : i32
        %mul3A_148 = arith.constant 16 : i32
        %mul3A_149 = arith.muli %add3A_147, %mul3A_148 : i32
        %get3A_150 = arith.index_cast %mul3A_149 : i32 to index
        %get3A_151 = tpu.vector_load %arg9[%get3A_150] {strides = array<i32>} : memref<16384xi32, #tpu.memory_space<vmem>>, vector<16xi32>,
        %broadcast_in_dim3A_152 = arith.constant true
        %broadcast_in_dim3A_153 = vector.broadcast %broadcast_in_dim3A_152 : i1 to vector<16xi1>
        %masked_cumsum3A_154 = tpu.scan <sum>, %get3A_151 masked %broadcast_in_dim3A_153 : vector<16xi32>, vector<16xi1> -> vector<16xi32>
        %add3A_155 = vector.broadcast %add3A_143 : i32 to vector<16xi32>
        %add3A_156 = arith.addi %add3A_155, %masked_cumsum3A_154 : vector<16xi32>
        %sub3A_157 = arith.subi %add3A_156, %get3A_151 : vector<16xi32>
        %swap3A_158 = arith.index_cast %mul3A_149 : i32 to index
        %swap3A_159 = tpu.vector_load %arg9[%swap3A_158] {strides = array<i32>} : memref<16384xi32, #tpu.memory_space<vmem>>, vector<16xi32>,
        tpu.vector_store %arg9[%swap3A_158], %sub3A_157 {strides = array<i32>} : memref<16384xi32, #tpu.memory_space<vmem>>, vector<16xi32>,
        %reduce_sum3A_160 = arith.constant true
        %reduce_sum3A_161 = vector.broadcast %reduce_sum3A_160 : i1 to vector<16xi1>
        %reduce_sum3A_162 = tpu.scan <sum>, %get3A_151 masked %reduce_sum3A_161 : vector<16xi32>, vector<16xi1> -> vector<16xi32>
        %reduce_sum3A_163 = vector.extract %reduce_sum3A_162[15] : i32 from vector<16xi32>
        %add3A_164 = arith.addi %add3A_143, %reduce_sum3A_163 : i32
        %mul3A_165 = arith.constant 4 : i32
        %mul3A_166 = arith.muli %scan3A_126, %mul3A_165 : i32
        %add3A_167 = arith.constant 2 : i32
        %add3A_168 = arith.addi %mul3A_166, %add3A_167 : i32
        %mul3A_169 = arith.constant 16 : i32
        %mul3A_170 = arith.muli %add3A_168, %mul3A_169 : i32
        %get3A_171 = arith.index_cast %mul3A_170 : i32 to index
        %get3A_172 = tpu.vector_load %arg9[%get3A_171] {strides = array<i32>} : memref<16384xi32, #tpu.memory_space<vmem>>, vector<16xi32>,
        %broadcast_in_dim3A_173 = arith.constant true
        %broadcast_in_dim3A_174 = vector.broadcast %broadcast_in_dim3A_173 : i1 to vector<16xi1>
        %masked_cumsum3A_175 = tpu.scan <sum>, %get3A_172 masked %broadcast_in_dim3A_174 : vector<16xi32>, vector<16xi1> -> vector<16xi32>
        %add3A_176 = vector.broadcast %add3A_164 : i32 to vector<16xi32>
        %add3A_177 = arith.addi %add3A_176, %masked_cumsum3A_175 : vector<16xi32>
        %sub3A_178 = arith.subi %add3A_177, %get3A_172 : vector<16xi32>
        %swap3A_179 = arith.index_cast %mul3A_170 : i32 to index
        %swap3A_180 = tpu.vector_load %arg9[%swap3A_179] {strides = array<i32>} : memref<16384xi32, #tpu.memory_space<vmem>>, vector<16xi32>,
        tpu.vector_store %arg9[%swap3A_179], %sub3A_178 {strides = array<i32>} : memref<16384xi32, #tpu.memory_space<vmem>>, vector<16xi32>,
        %reduce_sum3A_181 = arith.constant true
        %reduce_sum3A_182 = vector.broadcast %reduce_sum3A_181 : i1 to vector<16xi1>
        %reduce_sum3A_183 = tpu.scan <sum>, %get3A_172 masked %reduce_sum3A_182 : vector<16xi32>, vector<16xi1> -> vector<16xi32>
        %reduce_sum3A_184 = vector.extract %reduce_sum3A_183[15] : i32 from vector<16xi32>
        %add3A_185 = arith.addi %add3A_164, %reduce_sum3A_184 : i32
        %mul3A_186 = arith.constant 4 : i32
        %mul3A_187 = arith.muli %scan3A_126, %mul3A_186 : i32
        %add3A_188 = arith.constant 3 : i32
        %add3A_189 = arith.addi %mul3A_187, %add3A_188 : i32
        %mul3A_190 = arith.constant 16 : i32
        %mul3A_191 = arith.muli %add3A_189, %mul3A_190 : i32
        %get3A_192 = arith.index_cast %mul3A_191 : i32 to index
        %get3A_193 = tpu.vector_load %arg9[%get3A_192] {strides = array<i32>} : memref<16384xi32, #tpu.memory_space<vmem>>, vector<16xi32>,
        %broadcast_in_dim3A_194 = arith.constant true
        %broadcast_in_dim3A_195 = vector.broadcast %broadcast_in_dim3A_194 : i1 to vector<16xi1>
        %masked_cumsum3A_196 = tpu.scan <sum>, %get3A_193 masked %broadcast_in_dim3A_195 : vector<16xi32>, vector<16xi1> -> vector<16xi32>
        %add3A_197 = vector.broadcast %add3A_185 : i32 to vector<16xi32>
        %add3A_198 = arith.addi %add3A_197, %masked_cumsum3A_196 : vector<16xi32>
        %sub3A_199 = arith.subi %add3A_198, %get3A_193 : vector<16xi32>
        %swap3A_200 = arith.index_cast %mul3A_191 : i32 to index
        %swap3A_201 = tpu.vector_load %arg9[%swap3A_200] {strides = array<i32>} : memref<16384xi32, #tpu.memory_space<vmem>>, vector<16xi32>,
        tpu.vector_store %arg9[%swap3A_200], %sub3A_199 {strides = array<i32>} : memref<16384xi32, #tpu.memory_space<vmem>>, vector<16xi32>,
        %reduce_sum3A_202 = arith.constant true
        %reduce_sum3A_203 = vector.broadcast %reduce_sum3A_202 : i1 to vector<16xi1>
        %reduce_sum3A_204 = tpu.scan <sum>, %get3A_193 masked %reduce_sum3A_203 : vector<16xi32>, vector<16xi1> -> vector<16xi32>
        %reduce_sum3A_205 = vector.extract %reduce_sum3A_204[15] : i32 from vector<16xi32>
        %add3A_206 = arith.addi %add3A_185, %reduce_sum3A_205 : i32
        scf.yield %add3A_206 : i32
      }
      %scan3A_37 = arith.constant 256 : i32
      %scan3A_38 = arith.constant 0 : i32
      %scan3A_39 = arith.constant 0 : i32
      %scan3A_40 = arith.constant 315 : i32
      %scan3A_41 = arith.addi %scan3A_39, %scan3A_40 : i32
      %scan3A_42 = arith.constant 1 : i32
      %scan3A_43 = scf.for %scan3A_126 = %scan3A_39 to %scan3A_41 step %scan3A_42 iter_args(%scan3A_127 = %scan3A_38) -> (i32)  : i32 {
        %mul3A_128 = arith.constant 5 : i32
        %mul3A_129 = arith.muli %scan3A_126, %mul3A_128 : i32
        %add3A_130 = arith.constant 0 : i32
        %add3A_131 = arith.addi %mul3A_129, %add3A_130 : i32
        %add3A_132 = vector.broadcast %add3A_131 : i32 to vector<16xi32>
        %add3A_133 = arith.addi %mul3A_5, %add3A_132 : vector<16xi32>
        %gather3A = tpu.vector_load_idx %arg5[%add3A_133] : memref<25200xi32, #tpu.memory_space<vmem>>[vector<16xi32>], vector<16xi32>,
        %gather3A_134 = tpu.vector_load_idx %arg6[%add3A_133] : memref<25200xi32, #tpu.memory_space<vmem>>[vector<16xi32>], vector<16xi32>,
        %shift_right_logical3A = arith.constant 0 : i32
        %shift_right_logical3A_135 = vector.broadcast %shift_right_logical3A : i32 to vector<16xi32>
        %shift_right_logical3A_136 = arith.shrui %gather3A, %shift_right_logical3A_135 : vector<16xi32>
        %and3A = arith.constant 1023 : i32
        %and3A_137 = vector.broadcast %and3A : i32 to vector<16xi32>
        %and3A_138 = arith.andi %shift_right_logical3A_136, %and3A_137 : vector<16xi32>
        %mul3A_139 = arith.constant 16 : i32
        %mul3A_140 = vector.broadcast %mul3A_139 : i32 to vector<16xi32>
        %mul3A_141 = arith.muli %and3A_138, %mul3A_140 : vector<16xi32>
        %add3A_142 = arith.addi %mul3A_141, %iota3A : vector<16xi32>
        %gather3A_143 = tpu.vector_load_idx %arg9[%add3A_142] : memref<16384xi32, #tpu.memory_space<vmem>>[vector<16xi32>], vector<16xi32>,
        tpu.vector_store_idx %arg7[%gather3A_143], %gather3A : memref<25200xi32, #tpu.memory_space<vmem>>[vector<16xi32>], vector<16xi32>,
        tpu.vector_store_idx %arg8[%gather3A_143], %gather3A_134 : memref<25200xi32, #tpu.memory_space<vmem>>[vector<16xi32>], vector<16xi32>,
        tpu.vector_store_idx %arg9[%add3A_142], %broadcast_in_dim3A_6 {add = true} : memref<16384xi32, #tpu.memory_space<vmem>>[vector<16xi32>], vector<16xi32>,
        %mul3A_144 = arith.constant 5 : i32
        %mul3A_145 = arith.muli %scan3A_126, %mul3A_144 : i32
        %add3A_146 = arith.constant 1 : i32
        %add3A_147 = arith.addi %mul3A_145, %add3A_146 : i32
        %add3A_148 = vector.broadcast %add3A_147 : i32 to vector<16xi32>
        %add3A_149 = arith.addi %mul3A_5, %add3A_148 : vector<16xi32>
        %gather3A_150 = tpu.vector_load_idx %arg5[%add3A_149] : memref<25200xi32, #tpu.memory_space<vmem>>[vector<16xi32>], vector<16xi32>,
        %gather3A_151 = tpu.vector_load_idx %arg6[%add3A_149] : memref<25200xi32, #tpu.memory_space<vmem>>[vector<16xi32>], vector<16xi32>,
        %shift_right_logical3A_152 = arith.constant 0 : i32
        %shift_right_logical3A_153 = vector.broadcast %shift_right_logical3A_152 : i32 to vector<16xi32>
        %shift_right_logical3A_154 = arith.shrui %gather3A_150, %shift_right_logical3A_153 : vector<16xi32>
        %and3A_155 = arith.constant 1023 : i32
        %and3A_156 = vector.broadcast %and3A_155 : i32 to vector<16xi32>
        %and3A_157 = arith.andi %shift_right_logical3A_154, %and3A_156 : vector<16xi32>
        %mul3A_158 = arith.constant 16 : i32
        %mul3A_159 = vector.broadcast %mul3A_158 : i32 to vector<16xi32>
        %mul3A_160 = arith.muli %and3A_157, %mul3A_159 : vector<16xi32>
        %add3A_161 = arith.addi %mul3A_160, %iota3A : vector<16xi32>
        %gather3A_162 = tpu.vector_load_idx %arg9[%add3A_161] : memref<16384xi32, #tpu.memory_space<vmem>>[vector<16xi32>], vector<16xi32>,
        tpu.vector_store_idx %arg7[%gather3A_162], %gather3A_150 : memref<25200xi32, #tpu.memory_space<vmem>>[vector<16xi32>], vector<16xi32>,
        tpu.vector_store_idx %arg8[%gather3A_162], %gather3A_151 : memref<25200xi32, #tpu.memory_space<vmem>>[vector<16xi32>], vector<16xi32>,
        tpu.vector_store_idx %arg9[%add3A_161], %broadcast_in_dim3A_6 {add = true} : memref<16384xi32, #tpu.memory_space<vmem>>[vector<16xi32>], vector<16xi32>,
        %mul3A_163 = arith.constant 5 : i32
        %mul3A_164 = arith.muli %scan3A_126, %mul3A_163 : i32
        %add3A_165 = arith.constant 2 : i32
        %add3A_166 = arith.addi %mul3A_164, %add3A_165 : i32
        %add3A_167 = vector.broadcast %add3A_166 : i32 to vector<16xi32>
        %add3A_168 = arith.addi %mul3A_5, %add3A_167 : vector<16xi32>
        %gather3A_169 = tpu.vector_load_idx %arg5[%add3A_168] : memref<25200xi32, #tpu.memory_space<vmem>>[vector<16xi32>], vector<16xi32>,
        %gather3A_170 = tpu.vector_load_idx %arg6[%add3A_168] : memref<25200xi32, #tpu.memory_space<vmem>>[vector<16xi32>], vector<16xi32>,
        %shift_right_logical3A_171 = arith.constant 0 : i32
        %shift_right_logical3A_172 = vector.broadcast %shift_right_logical3A_171 : i32 to vector<16xi32>
        %shift_right_logical3A_173 = arith.shrui %gather3A_169, %shift_right_logical3A_172 : vector<16xi32>
        %and3A_174 = arith.constant 1023 : i32
        %and3A_175 = vector.broadcast %and3A_174 : i32 to vector<16xi32>
        %and3A_176 = arith.andi %shift_right_logical3A_173, %and3A_175 : vector<16xi32>
        %mul3A_177 = arith.constant 16 : i32
        %mul3A_178 = vector.broadcast %mul3A_177 : i32 to vector<16xi32>
        %mul3A_179 = arith.muli %and3A_176, %mul3A_178 : vector<16xi32>
        %add3A_180 = arith.addi %mul3A_179, %iota3A : vector<16xi32>
        %gather3A_181 = tpu.vector_load_idx %arg9[%add3A_180] : memref<16384xi32, #tpu.memory_space<vmem>>[vector<16xi32>], vector<16xi32>,
        tpu.vector_store_idx %arg7[%gather3A_181], %gather3A_169 : memref<25200xi32, #tpu.memory_space<vmem>>[vector<16xi32>], vector<16xi32>,
        tpu.vector_store_idx %arg8[%gather3A_181], %gather3A_170 : memref<25200xi32, #tpu.memory_space<vmem>>[vector<16xi32>], vector<16xi32>,
        tpu.vector_store_idx %arg9[%add3A_180], %broadcast_in_dim3A_6 {add = true} : memref<16384xi32, #tpu.memory_space<vmem>>[vector<16xi32>], vector<16xi32>,
        %mul3A_182 = arith.constant 5 : i32
        %mul3A_183 = arith.muli %scan3A_126, %mul3A_182 : i32
        %add3A_184 = arith.constant 3 : i32
        %add3A_185 = arith.addi %mul3A_183, %add3A_184 : i32
        %add3A_186 = vector.broadcast %add3A_185 : i32 to vector<16xi32>
        %add3A_187 = arith.addi %mul3A_5, %add3A_186 : vector<16xi32>
        %gather3A_188 = tpu.vector_load_idx %arg5[%add3A_187] : memref<25200xi32, #tpu.memory_space<vmem>>[vector<16xi32>], vector<16xi32>,
        %gather3A_189 = tpu.vector_load_idx %arg6[%add3A_187] : memref<25200xi32, #tpu.memory_space<vmem>>[vector<16xi32>], vector<16xi32>,
        %shift_right_logical3A_190 = arith.constant 0 : i32
        %shift_right_logical3A_191 = vector.broadcast %shift_right_logical3A_190 : i32 to vector<16xi32>
        %shift_right_logical3A_192 = arith.shrui %gather3A_188, %shift_right_logical3A_191 : vector<16xi32>
        %and3A_193 = arith.constant 1023 : i32
        %and3A_194 = vector.broadcast %and3A_193 : i32 to vector<16xi32>
        %and3A_195 = arith.andi %shift_right_logical3A_192, %and3A_194 : vector<16xi32>
        %mul3A_196 = arith.constant 16 : i32
        %mul3A_197 = vector.broadcast %mul3A_196 : i32 to vector<16xi32>
        %mul3A_198 = arith.muli %and3A_195, %mul3A_197 : vector<16xi32>
        %add3A_199 = arith.addi %mul3A_198, %iota3A : vector<16xi32>
        %gather3A_200 = tpu.vector_load_idx %arg9[%add3A_199] : memref<16384xi32, #tpu.memory_space<vmem>>[vector<16xi32>], vector<16xi32>,
        tpu.vector_store_idx %arg7[%gather3A_200], %gather3A_188 : memref<25200xi32, #tpu.memory_space<vmem>>[vector<16xi32>], vector<16xi32>,
        tpu.vector_store_idx %arg8[%gather3A_200], %gather3A_189 : memref<25200xi32, #tpu.memory_space<vmem>>[vector<16xi32>], vector<16xi32>,
        tpu.vector_store_idx %arg9[%add3A_199], %broadcast_in_dim3A_6 {add = true} : memref<16384xi32, #tpu.memory_space<vmem>>[vector<16xi32>], vector<16xi32>,
        %mul3A_201 = arith.constant 5 : i32
        %mul3A_202 = arith.muli %scan3A_126, %mul3A_201 : i32
        %add3A_203 = arith.constant 4 : i32
        %add3A_204 = arith.addi %mul3A_202, %add3A_203 : i32
        %add3A_205 = vector.broadcast %add3A_204 : i32 to vector<16xi32>
        %add3A_206 = arith.addi %mul3A_5, %add3A_205 : vector<16xi32>
        %gather3A_207 = tpu.vector_load_idx %arg5[%add3A_206] : memref<25200xi32, #tpu.memory_space<vmem>>[vector<16xi32>], vector<16xi32>,
        %gather3A_208 = tpu.vector_load_idx %arg6[%add3A_206] : memref<25200xi32, #tpu.memory_space<vmem>>[vector<16xi32>], vector<16xi32>,
        %shift_right_logical3A_209 = arith.constant 0 : i32
        %shift_right_logical3A_210 = vector.broadcast %shift_right_logical3A_209 : i32 to vector<16xi32>
        %shift_right_logical3A_211 = arith.shrui %gather3A_207, %shift_right_logical3A_210 : vector<16xi32>
        %and3A_212 = arith.constant 1023 : i32
        %and3A_213 = vector.broadcast %and3A_212 : i32 to vector<16xi32>
        %and3A_214 = arith.andi %shift_right_logical3A_211, %and3A_213 : vector<16xi32>
        %mul3A_215 = arith.constant 16 : i32
        %mul3A_216 = vector.broadcast %mul3A_215 : i32 to vector<16xi32>
        %mul3A_217 = arith.muli %and3A_214, %mul3A_216 : vector<16xi32>
        %add3A_218 = arith.addi %mul3A_217, %iota3A : vector<16xi32>
        %gather3A_219 = tpu.vector_load_idx %arg9[%add3A_218] : memref<16384xi32, #tpu.memory_space<vmem>>[vector<16xi32>], vector<16xi32>,
        tpu.vector_store_idx %arg7[%gather3A_219], %gather3A_207 : memref<25200xi32, #tpu.memory_space<vmem>>[vector<16xi32>], vector<16xi32>,
        tpu.vector_store_idx %arg8[%gather3A_219], %gather3A_208 : memref<25200xi32, #tpu.memory_space<vmem>>[vector<16xi32>], vector<16xi32>,
        tpu.vector_store_idx %arg9[%add3A_218], %broadcast_in_dim3A_6 {add = true} : memref<16384xi32, #tpu.memory_space<vmem>>[vector<16xi32>], vector<16xi32>,
        %scan3A_220 = arith.constant 0 : i32
        scf.yield %scan3A_220 : i32
      }
      %scan3A_44 = arith.constant 315 : i32
      %scan3A_45 = arith.constant 0 : i32
      %scan3A_46 = arith.constant 0 : i32
      %scan3A_47 = arith.constant 256 : i32
      %scan3A_48 = arith.addi %scan3A_46, %scan3A_47 : i32
      %scan3A_49 = arith.constant 1 : i32
      %scan3A_50 = scf.for %scan3A_126 = %scan3A_46 to %scan3A_48 step %scan3A_49 iter_args(%scan3A_127 = %scan3A_45) -> (i32)  : i32 {
        %mul3A_128 = arith.constant 4 : i32
        %mul3A_129 = arith.muli %scan3A_126, %mul3A_128 : i32
        %add3A_130 = arith.constant 0 : i32
        %add3A_131 = arith.addi %mul3A_129, %add3A_130 : i32
        %mul3A_132 = arith.constant 16 : i32
        %mul3A_133 = arith.muli %add3A_131, %mul3A_132 : i32
        %swap3A = arith.index_cast %mul3A_133 : i32 to index
        %swap3A_134 = tpu.vector_load %arg9[%swap3A] {strides = array<i32>} : memref<16384xi32, #tpu.memory_space<vmem>>, vector<16xi32>,
        tpu.vector_store %arg9[%swap3A], %broadcast_in_dim3A_8 {strides = array<i32>} : memref<16384xi32, #tpu.memory_space<vmem>>, vector<16xi32>,
        %mul3A_135 = arith.constant 4 : i32
        %mul3A_136 = arith.muli %scan3A_126, %mul3A_135 : i32
        %add3A_137 = arith.constant 1 : i32
        %add3A_138 = arith.addi %mul3A_136, %add3A_137 : i32
        %mul3A_139 = arith.constant 16 : i32
        %mul3A_140 = arith.muli %add3A_138, %mul3A_139 : i32
        %swap3A_141 = arith.index_cast %mul3A_140 : i32 to index
        %swap3A_142 = tpu.vector_load %arg9[%swap3A_141] {strides = array<i32>} : memref<16384xi32, #tpu.memory_space<vmem>>, vector<16xi32>,
        tpu.vector_store %arg9[%swap3A_141], %broadcast_in_dim3A_8 {strides = array<i32>} : memref<16384xi32, #tpu.memory_space<vmem>>, vector<16xi32>,
        %mul3A_143 = arith.constant 4 : i32
        %mul3A_144 = arith.muli %scan3A_126, %mul3A_143 : i32
        %add3A_145 = arith.constant 2 : i32
        %add3A_146 = arith.addi %mul3A_144, %add3A_145 : i32
        %mul3A_147 = arith.constant 16 : i32
        %mul3A_148 = arith.muli %add3A_146, %mul3A_147 : i32
        %swap3A_149 = arith.index_cast %mul3A_148 : i32 to index
        %swap3A_150 = tpu.vector_load %arg9[%swap3A_149] {strides = array<i32>} : memref<16384xi32, #tpu.memory_space<vmem>>, vector<16xi32>,
        tpu.vector_store %arg9[%swap3A_149], %broadcast_in_dim3A_8 {strides = array<i32>} : memref<16384xi32, #tpu.memory_space<vmem>>, vector<16xi32>,
        %mul3A_151 = arith.constant 4 : i32
        %mul3A_152 = arith.muli %scan3A_126, %mul3A_151 : i32
        %add3A_153 = arith.constant 3 : i32
        %add3A_154 = arith.addi %mul3A_152, %add3A_153 : i32
        %mul3A_155 = arith.constant 16 : i32
        %mul3A_156 = arith.muli %add3A_154, %mul3A_155 : i32
        %swap3A_157 = arith.index_cast %mul3A_156 : i32 to index
        %swap3A_158 = tpu.vector_load %arg9[%swap3A_157] {strides = array<i32>} : memref<16384xi32, #tpu.memory_space<vmem>>, vector<16xi32>,
        tpu.vector_store %arg9[%swap3A_157], %broadcast_in_dim3A_8 {strides = array<i32>} : memref<16384xi32, #tpu.memory_space<vmem>>, vector<16xi32>,
        %scan3A_159 = arith.constant 0 : i32
        scf.yield %scan3A_159 : i32
      }
      %scan3A_51 = arith.constant 256 : i32
      %scan3A_52 = arith.constant 0 : i32
      %scan3A_53 = arith.constant 0 : i32
      %scan3A_54 = arith.constant 315 : i32
      %scan3A_55 = arith.addi %scan3A_53, %scan3A_54 : i32
      %scan3A_56 = arith.constant 1 : i32
      %scan3A_57 = scf.for %scan3A_126 = %scan3A_53 to %scan3A_55 step %scan3A_56 iter_args(%scan3A_127 = %scan3A_52) -> (i32)  : i32 {
        %mul3A_128 = arith.constant 5 : i32
        %mul3A_129 = arith.muli %scan3A_126, %mul3A_128 : i32
        %add3A_130 = arith.constant 0 : i32
        %add3A_131 = arith.addi %mul3A_129, %add3A_130 : i32
        %add3A_132 = vector.broadcast %add3A_131 : i32 to vector<16xi32>
        %add3A_133 = arith.addi %mul3A_5, %add3A_132 : vector<16xi32>
        %gather3A = tpu.vector_load_idx %arg7[%add3A_133] : memref<25200xi32, #tpu.memory_space<vmem>>[vector<16xi32>], vector<16xi32>,
        %shift_right_logical3A = arith.constant 10 : i32
        %shift_right_logical3A_134 = vector.broadcast %shift_right_logical3A : i32 to vector<16xi32>
        %shift_right_logical3A_135 = arith.shrui %gather3A, %shift_right_logical3A_134 : vector<16xi32>
        %and3A = arith.constant 1023 : i32
        %and3A_136 = vector.broadcast %and3A : i32 to vector<16xi32>
        %and3A_137 = arith.andi %shift_right_logical3A_135, %and3A_136 : vector<16xi32>
        %mul3A_138 = arith.constant 16 : i32
        %mul3A_139 = vector.broadcast %mul3A_138 : i32 to vector<16xi32>
        %mul3A_140 = arith.muli %and3A_137, %mul3A_139 : vector<16xi32>
        %add3A_141 = arith.addi %mul3A_140, %iota3A : vector<16xi32>
        tpu.vector_store_idx %arg9[%add3A_141], %broadcast_in_dim3A_6 {add = true} : memref<16384xi32, #tpu.memory_space<vmem>>[vector<16xi32>], vector<16xi32>,
        %mul3A_142 = arith.constant 5 : i32
        %mul3A_143 = arith.muli %scan3A_126, %mul3A_142 : i32
        %add3A_144 = arith.constant 1 : i32
        %add3A_145 = arith.addi %mul3A_143, %add3A_144 : i32
        %add3A_146 = vector.broadcast %add3A_145 : i32 to vector<16xi32>
        %add3A_147 = arith.addi %mul3A_5, %add3A_146 : vector<16xi32>
        %gather3A_148 = tpu.vector_load_idx %arg7[%add3A_147] : memref<25200xi32, #tpu.memory_space<vmem>>[vector<16xi32>], vector<16xi32>,
        %shift_right_logical3A_149 = arith.constant 10 : i32
        %shift_right_logical3A_150 = vector.broadcast %shift_right_logical3A_149 : i32 to vector<16xi32>
        %shift_right_logical3A_151 = arith.shrui %gather3A_148, %shift_right_logical3A_150 : vector<16xi32>
        %and3A_152 = arith.constant 1023 : i32
        %and3A_153 = vector.broadcast %and3A_152 : i32 to vector<16xi32>
        %and3A_154 = arith.andi %shift_right_logical3A_151, %and3A_153 : vector<16xi32>
        %mul3A_155 = arith.constant 16 : i32
        %mul3A_156 = vector.broadcast %mul3A_155 : i32 to vector<16xi32>
        %mul3A_157 = arith.muli %and3A_154, %mul3A_156 : vector<16xi32>
        %add3A_158 = arith.addi %mul3A_157, %iota3A : vector<16xi32>
        tpu.vector_store_idx %arg9[%add3A_158], %broadcast_in_dim3A_6 {add = true} : memref<16384xi32, #tpu.memory_space<vmem>>[vector<16xi32>], vector<16xi32>,
        %mul3A_159 = arith.constant 5 : i32
        %mul3A_160 = arith.muli %scan3A_126, %mul3A_159 : i32
        %add3A_161 = arith.constant 2 : i32
        %add3A_162 = arith.addi %mul3A_160, %add3A_161 : i32
        %add3A_163 = vector.broadcast %add3A_162 : i32 to vector<16xi32>
        %add3A_164 = arith.addi %mul3A_5, %add3A_163 : vector<16xi32>
        %gather3A_165 = tpu.vector_load_idx %arg7[%add3A_164] : memref<25200xi32, #tpu.memory_space<vmem>>[vector<16xi32>], vector<16xi32>,
        %shift_right_logical3A_166 = arith.constant 10 : i32
        %shift_right_logical3A_167 = vector.broadcast %shift_right_logical3A_166 : i32 to vector<16xi32>
        %shift_right_logical3A_168 = arith.shrui %gather3A_165, %shift_right_logical3A_167 : vector<16xi32>
        %and3A_169 = arith.constant 1023 : i32
        %and3A_170 = vector.broadcast %and3A_169 : i32 to vector<16xi32>
        %and3A_171 = arith.andi %shift_right_logical3A_168, %and3A_170 : vector<16xi32>
        %mul3A_172 = arith.constant 16 : i32
        %mul3A_173 = vector.broadcast %mul3A_172 : i32 to vector<16xi32>
        %mul3A_174 = arith.muli %and3A_171, %mul3A_173 : vector<16xi32>
        %add3A_175 = arith.addi %mul3A_174, %iota3A : vector<16xi32>
        tpu.vector_store_idx %arg9[%add3A_175], %broadcast_in_dim3A_6 {add = true} : memref<16384xi32, #tpu.memory_space<vmem>>[vector<16xi32>], vector<16xi32>,
        %mul3A_176 = arith.constant 5 : i32
        %mul3A_177 = arith.muli %scan3A_126, %mul3A_176 : i32
        %add3A_178 = arith.constant 3 : i32
        %add3A_179 = arith.addi %mul3A_177, %add3A_178 : i32
        %add3A_180 = vector.broadcast %add3A_179 : i32 to vector<16xi32>
        %add3A_181 = arith.addi %mul3A_5, %add3A_180 : vector<16xi32>
        %gather3A_182 = tpu.vector_load_idx %arg7[%add3A_181] : memref<25200xi32, #tpu.memory_space<vmem>>[vector<16xi32>], vector<16xi32>,
        %shift_right_logical3A_183 = arith.constant 10 : i32
        %shift_right_logical3A_184 = vector.broadcast %shift_right_logical3A_183 : i32 to vector<16xi32>
        %shift_right_logical3A_185 = arith.shrui %gather3A_182, %shift_right_logical3A_184 : vector<16xi32>
        %and3A_186 = arith.constant 1023 : i32
        %and3A_187 = vector.broadcast %and3A_186 : i32 to vector<16xi32>
        %and3A_188 = arith.andi %shift_right_logical3A_185, %and3A_187 : vector<16xi32>
        %mul3A_189 = arith.constant 16 : i32
        %mul3A_190 = vector.broadcast %mul3A_189 : i32 to vector<16xi32>
        %mul3A_191 = arith.muli %and3A_188, %mul3A_190 : vector<16xi32>
        %add3A_192 = arith.addi %mul3A_191, %iota3A : vector<16xi32>
        tpu.vector_store_idx %arg9[%add3A_192], %broadcast_in_dim3A_6 {add = true} : memref<16384xi32, #tpu.memory_space<vmem>>[vector<16xi32>], vector<16xi32>,
        %mul3A_193 = arith.constant 5 : i32
        %mul3A_194 = arith.muli %scan3A_126, %mul3A_193 : i32
        %add3A_195 = arith.constant 4 : i32
        %add3A_196 = arith.addi %mul3A_194, %add3A_195 : i32
        %add3A_197 = vector.broadcast %add3A_196 : i32 to vector<16xi32>
        %add3A_198 = arith.addi %mul3A_5, %add3A_197 : vector<16xi32>
        %gather3A_199 = tpu.vector_load_idx %arg7[%add3A_198] : memref<25200xi32, #tpu.memory_space<vmem>>[vector<16xi32>], vector<16xi32>,
        %shift_right_logical3A_200 = arith.constant 10 : i32
        %shift_right_logical3A_201 = vector.broadcast %shift_right_logical3A_200 : i32 to vector<16xi32>
        %shift_right_logical3A_202 = arith.shrui %gather3A_199, %shift_right_logical3A_201 : vector<16xi32>
        %and3A_203 = arith.constant 1023 : i32
        %and3A_204 = vector.broadcast %and3A_203 : i32 to vector<16xi32>
        %and3A_205 = arith.andi %shift_right_logical3A_202, %and3A_204 : vector<16xi32>
        %mul3A_206 = arith.constant 16 : i32
        %mul3A_207 = vector.broadcast %mul3A_206 : i32 to vector<16xi32>
        %mul3A_208 = arith.muli %and3A_205, %mul3A_207 : vector<16xi32>
        %add3A_209 = arith.addi %mul3A_208, %iota3A : vector<16xi32>
        tpu.vector_store_idx %arg9[%add3A_209], %broadcast_in_dim3A_6 {add = true} : memref<16384xi32, #tpu.memory_space<vmem>>[vector<16xi32>], vector<16xi32>,
        %scan3A_210 = arith.constant 0 : i32
        scf.yield %scan3A_210 : i32
      }
      %scan3A_58 = arith.constant 315 : i32
      %scan3A_59 = arith.constant 0 : i32
      %scan3A_60 = arith.constant 0 : i32
      %scan3A_61 = arith.constant 256 : i32
      %scan3A_62 = arith.addi %scan3A_60, %scan3A_61 : i32
      %scan3A_63 = arith.constant 1 : i32
      %scan3A_64 = scf.for %scan3A_126 = %scan3A_60 to %scan3A_62 step %scan3A_63 iter_args(%scan3A_127 = %scan3A_59) -> (i32)  : i32 {
        %mul3A_128 = arith.constant 4 : i32
        %mul3A_129 = arith.muli %scan3A_126, %mul3A_128 : i32
        %add3A_130 = arith.constant 0 : i32
        %add3A_131 = arith.addi %mul3A_129, %add3A_130 : i32
        %mul3A_132 = arith.constant 16 : i32
        %mul3A_133 = arith.muli %add3A_131, %mul3A_132 : i32
        %get3A = arith.index_cast %mul3A_133 : i32 to index
        %get3A_134 = tpu.vector_load %arg9[%get3A] {strides = array<i32>} : memref<16384xi32, #tpu.memory_space<vmem>>, vector<16xi32>,
        %broadcast_in_dim3A_135 = arith.constant true
        %broadcast_in_dim3A_136 = vector.broadcast %broadcast_in_dim3A_135 : i1 to vector<16xi1>
        %masked_cumsum3A = tpu.scan <sum>, %get3A_134 masked %broadcast_in_dim3A_136 : vector<16xi32>, vector<16xi1> -> vector<16xi32>
        %add3A_137 = vector.broadcast %scan3A_127 : i32 to vector<16xi32>
        %add3A_138 = arith.addi %add3A_137, %masked_cumsum3A : vector<16xi32>
        %sub3A = arith.subi %add3A_138, %get3A_134 : vector<16xi32>
        %swap3A = arith.index_cast %mul3A_133 : i32 to index
        %swap3A_139 = tpu.vector_load %arg9[%swap3A] {strides = array<i32>} : memref<16384xi32, #tpu.memory_space<vmem>>, vector<16xi32>,
        tpu.vector_store %arg9[%swap3A], %sub3A {strides = array<i32>} : memref<16384xi32, #tpu.memory_space<vmem>>, vector<16xi32>,
        %reduce_sum3A = arith.constant true
        %reduce_sum3A_140 = vector.broadcast %reduce_sum3A : i1 to vector<16xi1>
        %reduce_sum3A_141 = tpu.scan <sum>, %get3A_134 masked %reduce_sum3A_140 : vector<16xi32>, vector<16xi1> -> vector<16xi32>
        %reduce_sum3A_142 = vector.extract %reduce_sum3A_141[15] : i32 from vector<16xi32>
        %add3A_143 = arith.addi %scan3A_127, %reduce_sum3A_142 : i32
        %mul3A_144 = arith.constant 4 : i32
        %mul3A_145 = arith.muli %scan3A_126, %mul3A_144 : i32
        %add3A_146 = arith.constant 1 : i32
        %add3A_147 = arith.addi %mul3A_145, %add3A_146 : i32
        %mul3A_148 = arith.constant 16 : i32
        %mul3A_149 = arith.muli %add3A_147, %mul3A_148 : i32
        %get3A_150 = arith.index_cast %mul3A_149 : i32 to index
        %get3A_151 = tpu.vector_load %arg9[%get3A_150] {strides = array<i32>} : memref<16384xi32, #tpu.memory_space<vmem>>, vector<16xi32>,
        %broadcast_in_dim3A_152 = arith.constant true
        %broadcast_in_dim3A_153 = vector.broadcast %broadcast_in_dim3A_152 : i1 to vector<16xi1>
        %masked_cumsum3A_154 = tpu.scan <sum>, %get3A_151 masked %broadcast_in_dim3A_153 : vector<16xi32>, vector<16xi1> -> vector<16xi32>
        %add3A_155 = vector.broadcast %add3A_143 : i32 to vector<16xi32>
        %add3A_156 = arith.addi %add3A_155, %masked_cumsum3A_154 : vector<16xi32>
        %sub3A_157 = arith.subi %add3A_156, %get3A_151 : vector<16xi32>
        %swap3A_158 = arith.index_cast %mul3A_149 : i32 to index
        %swap3A_159 = tpu.vector_load %arg9[%swap3A_158] {strides = array<i32>} : memref<16384xi32, #tpu.memory_space<vmem>>, vector<16xi32>,
        tpu.vector_store %arg9[%swap3A_158], %sub3A_157 {strides = array<i32>} : memref<16384xi32, #tpu.memory_space<vmem>>, vector<16xi32>,
        %reduce_sum3A_160 = arith.constant true
        %reduce_sum3A_161 = vector.broadcast %reduce_sum3A_160 : i1 to vector<16xi1>
        %reduce_sum3A_162 = tpu.scan <sum>, %get3A_151 masked %reduce_sum3A_161 : vector<16xi32>, vector<16xi1> -> vector<16xi32>
        %reduce_sum3A_163 = vector.extract %reduce_sum3A_162[15] : i32 from vector<16xi32>
        %add3A_164 = arith.addi %add3A_143, %reduce_sum3A_163 : i32
        %mul3A_165 = arith.constant 4 : i32
        %mul3A_166 = arith.muli %scan3A_126, %mul3A_165 : i32
        %add3A_167 = arith.constant 2 : i32
        %add3A_168 = arith.addi %mul3A_166, %add3A_167 : i32
        %mul3A_169 = arith.constant 16 : i32
        %mul3A_170 = arith.muli %add3A_168, %mul3A_169 : i32
        %get3A_171 = arith.index_cast %mul3A_170 : i32 to index
        %get3A_172 = tpu.vector_load %arg9[%get3A_171] {strides = array<i32>} : memref<16384xi32, #tpu.memory_space<vmem>>, vector<16xi32>,
        %broadcast_in_dim3A_173 = arith.constant true
        %broadcast_in_dim3A_174 = vector.broadcast %broadcast_in_dim3A_173 : i1 to vector<16xi1>
        %masked_cumsum3A_175 = tpu.scan <sum>, %get3A_172 masked %broadcast_in_dim3A_174 : vector<16xi32>, vector<16xi1> -> vector<16xi32>
        %add3A_176 = vector.broadcast %add3A_164 : i32 to vector<16xi32>
        %add3A_177 = arith.addi %add3A_176, %masked_cumsum3A_175 : vector<16xi32>
        %sub3A_178 = arith.subi %add3A_177, %get3A_172 : vector<16xi32>
        %swap3A_179 = arith.index_cast %mul3A_170 : i32 to index
        %swap3A_180 = tpu.vector_load %arg9[%swap3A_179] {strides = array<i32>} : memref<16384xi32, #tpu.memory_space<vmem>>, vector<16xi32>,
        tpu.vector_store %arg9[%swap3A_179], %sub3A_178 {strides = array<i32>} : memref<16384xi32, #tpu.memory_space<vmem>>, vector<16xi32>,
        %reduce_sum3A_181 = arith.constant true
        %reduce_sum3A_182 = vector.broadcast %reduce_sum3A_181 : i1 to vector<16xi1>
        %reduce_sum3A_183 = tpu.scan <sum>, %get3A_172 masked %reduce_sum3A_182 : vector<16xi32>, vector<16xi1> -> vector<16xi32>
        %reduce_sum3A_184 = vector.extract %reduce_sum3A_183[15] : i32 from vector<16xi32>
        %add3A_185 = arith.addi %add3A_164, %reduce_sum3A_184 : i32
        %mul3A_186 = arith.constant 4 : i32
        %mul3A_187 = arith.muli %scan3A_126, %mul3A_186 : i32
        %add3A_188 = arith.constant 3 : i32
        %add3A_189 = arith.addi %mul3A_187, %add3A_188 : i32
        %mul3A_190 = arith.constant 16 : i32
        %mul3A_191 = arith.muli %add3A_189, %mul3A_190 : i32
        %get3A_192 = arith.index_cast %mul3A_191 : i32 to index
        %get3A_193 = tpu.vector_load %arg9[%get3A_192] {strides = array<i32>} : memref<16384xi32, #tpu.memory_space<vmem>>, vector<16xi32>,
        %broadcast_in_dim3A_194 = arith.constant true
        %broadcast_in_dim3A_195 = vector.broadcast %broadcast_in_dim3A_194 : i1 to vector<16xi1>
        %masked_cumsum3A_196 = tpu.scan <sum>, %get3A_193 masked %broadcast_in_dim3A_195 : vector<16xi32>, vector<16xi1> -> vector<16xi32>
        %add3A_197 = vector.broadcast %add3A_185 : i32 to vector<16xi32>
        %add3A_198 = arith.addi %add3A_197, %masked_cumsum3A_196 : vector<16xi32>
        %sub3A_199 = arith.subi %add3A_198, %get3A_193 : vector<16xi32>
        %swap3A_200 = arith.index_cast %mul3A_191 : i32 to index
        %swap3A_201 = tpu.vector_load %arg9[%swap3A_200] {strides = array<i32>} : memref<16384xi32, #tpu.memory_space<vmem>>, vector<16xi32>,
        tpu.vector_store %arg9[%swap3A_200], %sub3A_199 {strides = array<i32>} : memref<16384xi32, #tpu.memory_space<vmem>>, vector<16xi32>,
        %reduce_sum3A_202 = arith.constant true
        %reduce_sum3A_203 = vector.broadcast %reduce_sum3A_202 : i1 to vector<16xi1>
        %reduce_sum3A_204 = tpu.scan <sum>, %get3A_193 masked %reduce_sum3A_203 : vector<16xi32>, vector<16xi1> -> vector<16xi32>
        %reduce_sum3A_205 = vector.extract %reduce_sum3A_204[15] : i32 from vector<16xi32>
        %add3A_206 = arith.addi %add3A_185, %reduce_sum3A_205 : i32
        scf.yield %add3A_206 : i32
      }
      %scan3A_65 = arith.constant 256 : i32
      %scan3A_66 = arith.constant 0 : i32
      %scan3A_67 = arith.constant 0 : i32
      %scan3A_68 = arith.constant 315 : i32
      %scan3A_69 = arith.addi %scan3A_67, %scan3A_68 : i32
      %scan3A_70 = arith.constant 1 : i32
      %scan3A_71 = scf.for %scan3A_126 = %scan3A_67 to %scan3A_69 step %scan3A_70 iter_args(%scan3A_127 = %scan3A_66) -> (i32)  : i32 {
        %mul3A_128 = arith.constant 5 : i32
        %mul3A_129 = arith.muli %scan3A_126, %mul3A_128 : i32
        %add3A_130 = arith.constant 0 : i32
        %add3A_131 = arith.addi %mul3A_129, %add3A_130 : i32
        %add3A_132 = vector.broadcast %add3A_131 : i32 to vector<16xi32>
        %add3A_133 = arith.addi %mul3A_5, %add3A_132 : vector<16xi32>
        %gather3A = tpu.vector_load_idx %arg7[%add3A_133] : memref<25200xi32, #tpu.memory_space<vmem>>[vector<16xi32>], vector<16xi32>,
        %gather3A_134 = tpu.vector_load_idx %arg8[%add3A_133] : memref<25200xi32, #tpu.memory_space<vmem>>[vector<16xi32>], vector<16xi32>,
        %shift_right_logical3A = arith.constant 10 : i32
        %shift_right_logical3A_135 = vector.broadcast %shift_right_logical3A : i32 to vector<16xi32>
        %shift_right_logical3A_136 = arith.shrui %gather3A, %shift_right_logical3A_135 : vector<16xi32>
        %and3A = arith.constant 1023 : i32
        %and3A_137 = vector.broadcast %and3A : i32 to vector<16xi32>
        %and3A_138 = arith.andi %shift_right_logical3A_136, %and3A_137 : vector<16xi32>
        %mul3A_139 = arith.constant 16 : i32
        %mul3A_140 = vector.broadcast %mul3A_139 : i32 to vector<16xi32>
        %mul3A_141 = arith.muli %and3A_138, %mul3A_140 : vector<16xi32>
        %add3A_142 = arith.addi %mul3A_141, %iota3A : vector<16xi32>
        %gather3A_143 = tpu.vector_load_idx %arg9[%add3A_142] : memref<16384xi32, #tpu.memory_space<vmem>>[vector<16xi32>], vector<16xi32>,
        tpu.vector_store_idx %arg5[%gather3A_143], %gather3A : memref<25200xi32, #tpu.memory_space<vmem>>[vector<16xi32>], vector<16xi32>,
        tpu.vector_store_idx %arg6[%gather3A_143], %gather3A_134 : memref<25200xi32, #tpu.memory_space<vmem>>[vector<16xi32>], vector<16xi32>,
        tpu.vector_store_idx %arg9[%add3A_142], %broadcast_in_dim3A_6 {add = true} : memref<16384xi32, #tpu.memory_space<vmem>>[vector<16xi32>], vector<16xi32>,
        %mul3A_144 = arith.constant 5 : i32
        %mul3A_145 = arith.muli %scan3A_126, %mul3A_144 : i32
        %add3A_146 = arith.constant 1 : i32
        %add3A_147 = arith.addi %mul3A_145, %add3A_146 : i32
        %add3A_148 = vector.broadcast %add3A_147 : i32 to vector<16xi32>
        %add3A_149 = arith.addi %mul3A_5, %add3A_148 : vector<16xi32>
        %gather3A_150 = tpu.vector_load_idx %arg7[%add3A_149] : memref<25200xi32, #tpu.memory_space<vmem>>[vector<16xi32>], vector<16xi32>,
        %gather3A_151 = tpu.vector_load_idx %arg8[%add3A_149] : memref<25200xi32, #tpu.memory_space<vmem>>[vector<16xi32>], vector<16xi32>,
        %shift_right_logical3A_152 = arith.constant 10 : i32
        %shift_right_logical3A_153 = vector.broadcast %shift_right_logical3A_152 : i32 to vector<16xi32>
        %shift_right_logical3A_154 = arith.shrui %gather3A_150, %shift_right_logical3A_153 : vector<16xi32>
        %and3A_155 = arith.constant 1023 : i32
        %and3A_156 = vector.broadcast %and3A_155 : i32 to vector<16xi32>
        %and3A_157 = arith.andi %shift_right_logical3A_154, %and3A_156 : vector<16xi32>
        %mul3A_158 = arith.constant 16 : i32
        %mul3A_159 = vector.broadcast %mul3A_158 : i32 to vector<16xi32>
        %mul3A_160 = arith.muli %and3A_157, %mul3A_159 : vector<16xi32>
        %add3A_161 = arith.addi %mul3A_160, %iota3A : vector<16xi32>
        %gather3A_162 = tpu.vector_load_idx %arg9[%add3A_161] : memref<16384xi32, #tpu.memory_space<vmem>>[vector<16xi32>], vector<16xi32>,
        tpu.vector_store_idx %arg5[%gather3A_162], %gather3A_150 : memref<25200xi32, #tpu.memory_space<vmem>>[vector<16xi32>], vector<16xi32>,
        tpu.vector_store_idx %arg6[%gather3A_162], %gather3A_151 : memref<25200xi32, #tpu.memory_space<vmem>>[vector<16xi32>], vector<16xi32>,
        tpu.vector_store_idx %arg9[%add3A_161], %broadcast_in_dim3A_6 {add = true} : memref<16384xi32, #tpu.memory_space<vmem>>[vector<16xi32>], vector<16xi32>,
        %mul3A_163 = arith.constant 5 : i32
        %mul3A_164 = arith.muli %scan3A_126, %mul3A_163 : i32
        %add3A_165 = arith.constant 2 : i32
        %add3A_166 = arith.addi %mul3A_164, %add3A_165 : i32
        %add3A_167 = vector.broadcast %add3A_166 : i32 to vector<16xi32>
        %add3A_168 = arith.addi %mul3A_5, %add3A_167 : vector<16xi32>
        %gather3A_169 = tpu.vector_load_idx %arg7[%add3A_168] : memref<25200xi32, #tpu.memory_space<vmem>>[vector<16xi32>], vector<16xi32>,
        %gather3A_170 = tpu.vector_load_idx %arg8[%add3A_168] : memref<25200xi32, #tpu.memory_space<vmem>>[vector<16xi32>], vector<16xi32>,
        %shift_right_logical3A_171 = arith.constant 10 : i32
        %shift_right_logical3A_172 = vector.broadcast %shift_right_logical3A_171 : i32 to vector<16xi32>
        %shift_right_logical3A_173 = arith.shrui %gather3A_169, %shift_right_logical3A_172 : vector<16xi32>
        %and3A_174 = arith.constant 1023 : i32
        %and3A_175 = vector.broadcast %and3A_174 : i32 to vector<16xi32>
        %and3A_176 = arith.andi %shift_right_logical3A_173, %and3A_175 : vector<16xi32>
        %mul3A_177 = arith.constant 16 : i32
        %mul3A_178 = vector.broadcast %mul3A_177 : i32 to vector<16xi32>
        %mul3A_179 = arith.muli %and3A_176, %mul3A_178 : vector<16xi32>
        %add3A_180 = arith.addi %mul3A_179, %iota3A : vector<16xi32>
        %gather3A_181 = tpu.vector_load_idx %arg9[%add3A_180] : memref<16384xi32, #tpu.memory_space<vmem>>[vector<16xi32>], vector<16xi32>,
        tpu.vector_store_idx %arg5[%gather3A_181], %gather3A_169 : memref<25200xi32, #tpu.memory_space<vmem>>[vector<16xi32>], vector<16xi32>,
        tpu.vector_store_idx %arg6[%gather3A_181], %gather3A_170 : memref<25200xi32, #tpu.memory_space<vmem>>[vector<16xi32>], vector<16xi32>,
        tpu.vector_store_idx %arg9[%add3A_180], %broadcast_in_dim3A_6 {add = true} : memref<16384xi32, #tpu.memory_space<vmem>>[vector<16xi32>], vector<16xi32>,
        %mul3A_182 = arith.constant 5 : i32
        %mul3A_183 = arith.muli %scan3A_126, %mul3A_182 : i32
        %add3A_184 = arith.constant 3 : i32
        %add3A_185 = arith.addi %mul3A_183, %add3A_184 : i32
        %add3A_186 = vector.broadcast %add3A_185 : i32 to vector<16xi32>
        %add3A_187 = arith.addi %mul3A_5, %add3A_186 : vector<16xi32>
        %gather3A_188 = tpu.vector_load_idx %arg7[%add3A_187] : memref<25200xi32, #tpu.memory_space<vmem>>[vector<16xi32>], vector<16xi32>,
        %gather3A_189 = tpu.vector_load_idx %arg8[%add3A_187] : memref<25200xi32, #tpu.memory_space<vmem>>[vector<16xi32>], vector<16xi32>,
        %shift_right_logical3A_190 = arith.constant 10 : i32
        %shift_right_logical3A_191 = vector.broadcast %shift_right_logical3A_190 : i32 to vector<16xi32>
        %shift_right_logical3A_192 = arith.shrui %gather3A_188, %shift_right_logical3A_191 : vector<16xi32>
        %and3A_193 = arith.constant 1023 : i32
        %and3A_194 = vector.broadcast %and3A_193 : i32 to vector<16xi32>
        %and3A_195 = arith.andi %shift_right_logical3A_192, %and3A_194 : vector<16xi32>
        %mul3A_196 = arith.constant 16 : i32
        %mul3A_197 = vector.broadcast %mul3A_196 : i32 to vector<16xi32>
        %mul3A_198 = arith.muli %and3A_195, %mul3A_197 : vector<16xi32>
        %add3A_199 = arith.addi %mul3A_198, %iota3A : vector<16xi32>
        %gather3A_200 = tpu.vector_load_idx %arg9[%add3A_199] : memref<16384xi32, #tpu.memory_space<vmem>>[vector<16xi32>], vector<16xi32>,
        tpu.vector_store_idx %arg5[%gather3A_200], %gather3A_188 : memref<25200xi32, #tpu.memory_space<vmem>>[vector<16xi32>], vector<16xi32>,
        tpu.vector_store_idx %arg6[%gather3A_200], %gather3A_189 : memref<25200xi32, #tpu.memory_space<vmem>>[vector<16xi32>], vector<16xi32>,
        tpu.vector_store_idx %arg9[%add3A_199], %broadcast_in_dim3A_6 {add = true} : memref<16384xi32, #tpu.memory_space<vmem>>[vector<16xi32>], vector<16xi32>,
        %mul3A_201 = arith.constant 5 : i32
        %mul3A_202 = arith.muli %scan3A_126, %mul3A_201 : i32
        %add3A_203 = arith.constant 4 : i32
        %add3A_204 = arith.addi %mul3A_202, %add3A_203 : i32
        %add3A_205 = vector.broadcast %add3A_204 : i32 to vector<16xi32>
        %add3A_206 = arith.addi %mul3A_5, %add3A_205 : vector<16xi32>
        %gather3A_207 = tpu.vector_load_idx %arg7[%add3A_206] : memref<25200xi32, #tpu.memory_space<vmem>>[vector<16xi32>], vector<16xi32>,
        %gather3A_208 = tpu.vector_load_idx %arg8[%add3A_206] : memref<25200xi32, #tpu.memory_space<vmem>>[vector<16xi32>], vector<16xi32>,
        %shift_right_logical3A_209 = arith.constant 10 : i32
        %shift_right_logical3A_210 = vector.broadcast %shift_right_logical3A_209 : i32 to vector<16xi32>
        %shift_right_logical3A_211 = arith.shrui %gather3A_207, %shift_right_logical3A_210 : vector<16xi32>
        %and3A_212 = arith.constant 1023 : i32
        %and3A_213 = vector.broadcast %and3A_212 : i32 to vector<16xi32>
        %and3A_214 = arith.andi %shift_right_logical3A_211, %and3A_213 : vector<16xi32>
        %mul3A_215 = arith.constant 16 : i32
        %mul3A_216 = vector.broadcast %mul3A_215 : i32 to vector<16xi32>
        %mul3A_217 = arith.muli %and3A_214, %mul3A_216 : vector<16xi32>
        %add3A_218 = arith.addi %mul3A_217, %iota3A : vector<16xi32>
        %gather3A_219 = tpu.vector_load_idx %arg9[%add3A_218] : memref<16384xi32, #tpu.memory_space<vmem>>[vector<16xi32>], vector<16xi32>,
        tpu.vector_store_idx %arg5[%gather3A_219], %gather3A_207 : memref<25200xi32, #tpu.memory_space<vmem>>[vector<16xi32>], vector<16xi32>,
        tpu.vector_store_idx %arg6[%gather3A_219], %gather3A_208 : memref<25200xi32, #tpu.memory_space<vmem>>[vector<16xi32>], vector<16xi32>,
        tpu.vector_store_idx %arg9[%add3A_218], %broadcast_in_dim3A_6 {add = true} : memref<16384xi32, #tpu.memory_space<vmem>>[vector<16xi32>], vector<16xi32>,
        %scan3A_220 = arith.constant 0 : i32
        scf.yield %scan3A_220 : i32
      }
      %scan3A_72 = arith.constant 315 : i32
      %scan3A_73 = arith.constant 0 : i32
      %scan3A_74 = arith.constant 0 : i32
      %scan3A_75 = arith.constant 256 : i32
      %scan3A_76 = arith.addi %scan3A_74, %scan3A_75 : i32
      %scan3A_77 = arith.constant 1 : i32
      %scan3A_78 = scf.for %scan3A_126 = %scan3A_74 to %scan3A_76 step %scan3A_77 iter_args(%scan3A_127 = %scan3A_73) -> (i32)  : i32 {
        %mul3A_128 = arith.constant 4 : i32
        %mul3A_129 = arith.muli %scan3A_126, %mul3A_128 : i32
        %add3A_130 = arith.constant 0 : i32
        %add3A_131 = arith.addi %mul3A_129, %add3A_130 : i32
        %mul3A_132 = arith.constant 16 : i32
        %mul3A_133 = arith.muli %add3A_131, %mul3A_132 : i32
        %swap3A = arith.index_cast %mul3A_133 : i32 to index
        %swap3A_134 = tpu.vector_load %arg9[%swap3A] {strides = array<i32>} : memref<16384xi32, #tpu.memory_space<vmem>>, vector<16xi32>,
        tpu.vector_store %arg9[%swap3A], %broadcast_in_dim3A_8 {strides = array<i32>} : memref<16384xi32, #tpu.memory_space<vmem>>, vector<16xi32>,
        %mul3A_135 = arith.constant 4 : i32
        %mul3A_136 = arith.muli %scan3A_126, %mul3A_135 : i32
        %add3A_137 = arith.constant 1 : i32
        %add3A_138 = arith.addi %mul3A_136, %add3A_137 : i32
        %mul3A_139 = arith.constant 16 : i32
        %mul3A_140 = arith.muli %add3A_138, %mul3A_139 : i32
        %swap3A_141 = arith.index_cast %mul3A_140 : i32 to index
        %swap3A_142 = tpu.vector_load %arg9[%swap3A_141] {strides = array<i32>} : memref<16384xi32, #tpu.memory_space<vmem>>, vector<16xi32>,
        tpu.vector_store %arg9[%swap3A_141], %broadcast_in_dim3A_8 {strides = array<i32>} : memref<16384xi32, #tpu.memory_space<vmem>>, vector<16xi32>,
        %mul3A_143 = arith.constant 4 : i32
        %mul3A_144 = arith.muli %scan3A_126, %mul3A_143 : i32
        %add3A_145 = arith.constant 2 : i32
        %add3A_146 = arith.addi %mul3A_144, %add3A_145 : i32
        %mul3A_147 = arith.constant 16 : i32
        %mul3A_148 = arith.muli %add3A_146, %mul3A_147 : i32
        %swap3A_149 = arith.index_cast %mul3A_148 : i32 to index
        %swap3A_150 = tpu.vector_load %arg9[%swap3A_149] {strides = array<i32>} : memref<16384xi32, #tpu.memory_space<vmem>>, vector<16xi32>,
        tpu.vector_store %arg9[%swap3A_149], %broadcast_in_dim3A_8 {strides = array<i32>} : memref<16384xi32, #tpu.memory_space<vmem>>, vector<16xi32>,
        %mul3A_151 = arith.constant 4 : i32
        %mul3A_152 = arith.muli %scan3A_126, %mul3A_151 : i32
        %add3A_153 = arith.constant 3 : i32
        %add3A_154 = arith.addi %mul3A_152, %add3A_153 : i32
        %mul3A_155 = arith.constant 16 : i32
        %mul3A_156 = arith.muli %add3A_154, %mul3A_155 : i32
        %swap3A_157 = arith.index_cast %mul3A_156 : i32 to index
        %swap3A_158 = tpu.vector_load %arg9[%swap3A_157] {strides = array<i32>} : memref<16384xi32, #tpu.memory_space<vmem>>, vector<16xi32>,
        tpu.vector_store %arg9[%swap3A_157], %broadcast_in_dim3A_8 {strides = array<i32>} : memref<16384xi32, #tpu.memory_space<vmem>>, vector<16xi32>,
        %scan3A_159 = arith.constant 0 : i32
        scf.yield %scan3A_159 : i32
      }
      %scan3A_79 = arith.constant 256 : i32
      %scan3A_80 = arith.constant 0 : i32
      %scan3A_81 = arith.constant 0 : i32
      %scan3A_82 = arith.constant 315 : i32
      %scan3A_83 = arith.addi %scan3A_81, %scan3A_82 : i32
      %scan3A_84 = arith.constant 1 : i32
      %scan3A_85 = scf.for %scan3A_126 = %scan3A_81 to %scan3A_83 step %scan3A_84 iter_args(%scan3A_127 = %scan3A_80) -> (i32)  : i32 {
        %mul3A_128 = arith.constant 5 : i32
        %mul3A_129 = arith.muli %scan3A_126, %mul3A_128 : i32
        %add3A_130 = arith.constant 0 : i32
        %add3A_131 = arith.addi %mul3A_129, %add3A_130 : i32
        %add3A_132 = vector.broadcast %add3A_131 : i32 to vector<16xi32>
        %add3A_133 = arith.addi %mul3A_5, %add3A_132 : vector<16xi32>
        %gather3A = tpu.vector_load_idx %arg5[%add3A_133] : memref<25200xi32, #tpu.memory_space<vmem>>[vector<16xi32>], vector<16xi32>,
        %shift_right_logical3A = arith.constant 20 : i32
        %shift_right_logical3A_134 = vector.broadcast %shift_right_logical3A : i32 to vector<16xi32>
        %shift_right_logical3A_135 = arith.shrui %gather3A, %shift_right_logical3A_134 : vector<16xi32>
        %and3A = arith.constant 1023 : i32
        %and3A_136 = vector.broadcast %and3A : i32 to vector<16xi32>
        %and3A_137 = arith.andi %shift_right_logical3A_135, %and3A_136 : vector<16xi32>
        %mul3A_138 = arith.constant 16 : i32
        %mul3A_139 = vector.broadcast %mul3A_138 : i32 to vector<16xi32>
        %mul3A_140 = arith.muli %and3A_137, %mul3A_139 : vector<16xi32>
        %add3A_141 = arith.addi %mul3A_140, %iota3A : vector<16xi32>
        tpu.vector_store_idx %arg9[%add3A_141], %broadcast_in_dim3A_6 {add = true} : memref<16384xi32, #tpu.memory_space<vmem>>[vector<16xi32>], vector<16xi32>,
        %mul3A_142 = arith.constant 5 : i32
        %mul3A_143 = arith.muli %scan3A_126, %mul3A_142 : i32
        %add3A_144 = arith.constant 1 : i32
        %add3A_145 = arith.addi %mul3A_143, %add3A_144 : i32
        %add3A_146 = vector.broadcast %add3A_145 : i32 to vector<16xi32>
        %add3A_147 = arith.addi %mul3A_5, %add3A_146 : vector<16xi32>
        %gather3A_148 = tpu.vector_load_idx %arg5[%add3A_147] : memref<25200xi32, #tpu.memory_space<vmem>>[vector<16xi32>], vector<16xi32>,
        %shift_right_logical3A_149 = arith.constant 20 : i32
        %shift_right_logical3A_150 = vector.broadcast %shift_right_logical3A_149 : i32 to vector<16xi32>
        %shift_right_logical3A_151 = arith.shrui %gather3A_148, %shift_right_logical3A_150 : vector<16xi32>
        %and3A_152 = arith.constant 1023 : i32
        %and3A_153 = vector.broadcast %and3A_152 : i32 to vector<16xi32>
        %and3A_154 = arith.andi %shift_right_logical3A_151, %and3A_153 : vector<16xi32>
        %mul3A_155 = arith.constant 16 : i32
        %mul3A_156 = vector.broadcast %mul3A_155 : i32 to vector<16xi32>
        %mul3A_157 = arith.muli %and3A_154, %mul3A_156 : vector<16xi32>
        %add3A_158 = arith.addi %mul3A_157, %iota3A : vector<16xi32>
        tpu.vector_store_idx %arg9[%add3A_158], %broadcast_in_dim3A_6 {add = true} : memref<16384xi32, #tpu.memory_space<vmem>>[vector<16xi32>], vector<16xi32>,
        %mul3A_159 = arith.constant 5 : i32
        %mul3A_160 = arith.muli %scan3A_126, %mul3A_159 : i32
        %add3A_161 = arith.constant 2 : i32
        %add3A_162 = arith.addi %mul3A_160, %add3A_161 : i32
        %add3A_163 = vector.broadcast %add3A_162 : i32 to vector<16xi32>
        %add3A_164 = arith.addi %mul3A_5, %add3A_163 : vector<16xi32>
        %gather3A_165 = tpu.vector_load_idx %arg5[%add3A_164] : memref<25200xi32, #tpu.memory_space<vmem>>[vector<16xi32>], vector<16xi32>,
        %shift_right_logical3A_166 = arith.constant 20 : i32
        %shift_right_logical3A_167 = vector.broadcast %shift_right_logical3A_166 : i32 to vector<16xi32>
        %shift_right_logical3A_168 = arith.shrui %gather3A_165, %shift_right_logical3A_167 : vector<16xi32>
        %and3A_169 = arith.constant 1023 : i32
        %and3A_170 = vector.broadcast %and3A_169 : i32 to vector<16xi32>
        %and3A_171 = arith.andi %shift_right_logical3A_168, %and3A_170 : vector<16xi32>
        %mul3A_172 = arith.constant 16 : i32
        %mul3A_173 = vector.broadcast %mul3A_172 : i32 to vector<16xi32>
        %mul3A_174 = arith.muli %and3A_171, %mul3A_173 : vector<16xi32>
        %add3A_175 = arith.addi %mul3A_174, %iota3A : vector<16xi32>
        tpu.vector_store_idx %arg9[%add3A_175], %broadcast_in_dim3A_6 {add = true} : memref<16384xi32, #tpu.memory_space<vmem>>[vector<16xi32>], vector<16xi32>,
        %mul3A_176 = arith.constant 5 : i32
        %mul3A_177 = arith.muli %scan3A_126, %mul3A_176 : i32
        %add3A_178 = arith.constant 3 : i32
        %add3A_179 = arith.addi %mul3A_177, %add3A_178 : i32
        %add3A_180 = vector.broadcast %add3A_179 : i32 to vector<16xi32>
        %add3A_181 = arith.addi %mul3A_5, %add3A_180 : vector<16xi32>
        %gather3A_182 = tpu.vector_load_idx %arg5[%add3A_181] : memref<25200xi32, #tpu.memory_space<vmem>>[vector<16xi32>], vector<16xi32>,
        %shift_right_logical3A_183 = arith.constant 20 : i32
        %shift_right_logical3A_184 = vector.broadcast %shift_right_logical3A_183 : i32 to vector<16xi32>
        %shift_right_logical3A_185 = arith.shrui %gather3A_182, %shift_right_logical3A_184 : vector<16xi32>
        %and3A_186 = arith.constant 1023 : i32
        %and3A_187 = vector.broadcast %and3A_186 : i32 to vector<16xi32>
        %and3A_188 = arith.andi %shift_right_logical3A_185, %and3A_187 : vector<16xi32>
        %mul3A_189 = arith.constant 16 : i32
        %mul3A_190 = vector.broadcast %mul3A_189 : i32 to vector<16xi32>
        %mul3A_191 = arith.muli %and3A_188, %mul3A_190 : vector<16xi32>
        %add3A_192 = arith.addi %mul3A_191, %iota3A : vector<16xi32>
        tpu.vector_store_idx %arg9[%add3A_192], %broadcast_in_dim3A_6 {add = true} : memref<16384xi32, #tpu.memory_space<vmem>>[vector<16xi32>], vector<16xi32>,
        %mul3A_193 = arith.constant 5 : i32
        %mul3A_194 = arith.muli %scan3A_126, %mul3A_193 : i32
        %add3A_195 = arith.constant 4 : i32
        %add3A_196 = arith.addi %mul3A_194, %add3A_195 : i32
        %add3A_197 = vector.broadcast %add3A_196 : i32 to vector<16xi32>
        %add3A_198 = arith.addi %mul3A_5, %add3A_197 : vector<16xi32>
        %gather3A_199 = tpu.vector_load_idx %arg5[%add3A_198] : memref<25200xi32, #tpu.memory_space<vmem>>[vector<16xi32>], vector<16xi32>,
        %shift_right_logical3A_200 = arith.constant 20 : i32
        %shift_right_logical3A_201 = vector.broadcast %shift_right_logical3A_200 : i32 to vector<16xi32>
        %shift_right_logical3A_202 = arith.shrui %gather3A_199, %shift_right_logical3A_201 : vector<16xi32>
        %and3A_203 = arith.constant 1023 : i32
        %and3A_204 = vector.broadcast %and3A_203 : i32 to vector<16xi32>
        %and3A_205 = arith.andi %shift_right_logical3A_202, %and3A_204 : vector<16xi32>
        %mul3A_206 = arith.constant 16 : i32
        %mul3A_207 = vector.broadcast %mul3A_206 : i32 to vector<16xi32>
        %mul3A_208 = arith.muli %and3A_205, %mul3A_207 : vector<16xi32>
        %add3A_209 = arith.addi %mul3A_208, %iota3A : vector<16xi32>
        tpu.vector_store_idx %arg9[%add3A_209], %broadcast_in_dim3A_6 {add = true} : memref<16384xi32, #tpu.memory_space<vmem>>[vector<16xi32>], vector<16xi32>,
        %scan3A_210 = arith.constant 0 : i32
        scf.yield %scan3A_210 : i32
      }
      %scan3A_86 = arith.constant 315 : i32
      %scan3A_87 = arith.constant 0 : i32
      %scan3A_88 = arith.constant 0 : i32
      %scan3A_89 = arith.constant 256 : i32
      %scan3A_90 = arith.addi %scan3A_88, %scan3A_89 : i32
      %scan3A_91 = arith.constant 1 : i32
      %scan3A_92 = scf.for %scan3A_126 = %scan3A_88 to %scan3A_90 step %scan3A_91 iter_args(%scan3A_127 = %scan3A_87) -> (i32)  : i32 {
        %mul3A_128 = arith.constant 4 : i32
        %mul3A_129 = arith.muli %scan3A_126, %mul3A_128 : i32
        %add3A_130 = arith.constant 0 : i32
        %add3A_131 = arith.addi %mul3A_129, %add3A_130 : i32
        %mul3A_132 = arith.constant 16 : i32
        %mul3A_133 = arith.muli %add3A_131, %mul3A_132 : i32
        %get3A = arith.index_cast %mul3A_133 : i32 to index
        %get3A_134 = tpu.vector_load %arg9[%get3A] {strides = array<i32>} : memref<16384xi32, #tpu.memory_space<vmem>>, vector<16xi32>,
        %broadcast_in_dim3A_135 = arith.constant true
        %broadcast_in_dim3A_136 = vector.broadcast %broadcast_in_dim3A_135 : i1 to vector<16xi1>
        %masked_cumsum3A = tpu.scan <sum>, %get3A_134 masked %broadcast_in_dim3A_136 : vector<16xi32>, vector<16xi1> -> vector<16xi32>
        %add3A_137 = vector.broadcast %scan3A_127 : i32 to vector<16xi32>
        %add3A_138 = arith.addi %add3A_137, %masked_cumsum3A : vector<16xi32>
        %sub3A = arith.subi %add3A_138, %get3A_134 : vector<16xi32>
        %swap3A = arith.index_cast %mul3A_133 : i32 to index
        %swap3A_139 = tpu.vector_load %arg9[%swap3A] {strides = array<i32>} : memref<16384xi32, #tpu.memory_space<vmem>>, vector<16xi32>,
        tpu.vector_store %arg9[%swap3A], %sub3A {strides = array<i32>} : memref<16384xi32, #tpu.memory_space<vmem>>, vector<16xi32>,
        %reduce_sum3A = arith.constant true
        %reduce_sum3A_140 = vector.broadcast %reduce_sum3A : i1 to vector<16xi1>
        %reduce_sum3A_141 = tpu.scan <sum>, %get3A_134 masked %reduce_sum3A_140 : vector<16xi32>, vector<16xi1> -> vector<16xi32>
        %reduce_sum3A_142 = vector.extract %reduce_sum3A_141[15] : i32 from vector<16xi32>
        %add3A_143 = arith.addi %scan3A_127, %reduce_sum3A_142 : i32
        %mul3A_144 = arith.constant 4 : i32
        %mul3A_145 = arith.muli %scan3A_126, %mul3A_144 : i32
        %add3A_146 = arith.constant 1 : i32
        %add3A_147 = arith.addi %mul3A_145, %add3A_146 : i32
        %mul3A_148 = arith.constant 16 : i32
        %mul3A_149 = arith.muli %add3A_147, %mul3A_148 : i32
        %get3A_150 = arith.index_cast %mul3A_149 : i32 to index
        %get3A_151 = tpu.vector_load %arg9[%get3A_150] {strides = array<i32>} : memref<16384xi32, #tpu.memory_space<vmem>>, vector<16xi32>,
        %broadcast_in_dim3A_152 = arith.constant true
        %broadcast_in_dim3A_153 = vector.broadcast %broadcast_in_dim3A_152 : i1 to vector<16xi1>
        %masked_cumsum3A_154 = tpu.scan <sum>, %get3A_151 masked %broadcast_in_dim3A_153 : vector<16xi32>, vector<16xi1> -> vector<16xi32>
        %add3A_155 = vector.broadcast %add3A_143 : i32 to vector<16xi32>
        %add3A_156 = arith.addi %add3A_155, %masked_cumsum3A_154 : vector<16xi32>
        %sub3A_157 = arith.subi %add3A_156, %get3A_151 : vector<16xi32>
        %swap3A_158 = arith.index_cast %mul3A_149 : i32 to index
        %swap3A_159 = tpu.vector_load %arg9[%swap3A_158] {strides = array<i32>} : memref<16384xi32, #tpu.memory_space<vmem>>, vector<16xi32>,
        tpu.vector_store %arg9[%swap3A_158], %sub3A_157 {strides = array<i32>} : memref<16384xi32, #tpu.memory_space<vmem>>, vector<16xi32>,
        %reduce_sum3A_160 = arith.constant true
        %reduce_sum3A_161 = vector.broadcast %reduce_sum3A_160 : i1 to vector<16xi1>
        %reduce_sum3A_162 = tpu.scan <sum>, %get3A_151 masked %reduce_sum3A_161 : vector<16xi32>, vector<16xi1> -> vector<16xi32>
        %reduce_sum3A_163 = vector.extract %reduce_sum3A_162[15] : i32 from vector<16xi32>
        %add3A_164 = arith.addi %add3A_143, %reduce_sum3A_163 : i32
        %mul3A_165 = arith.constant 4 : i32
        %mul3A_166 = arith.muli %scan3A_126, %mul3A_165 : i32
        %add3A_167 = arith.constant 2 : i32
        %add3A_168 = arith.addi %mul3A_166, %add3A_167 : i32
        %mul3A_169 = arith.constant 16 : i32
        %mul3A_170 = arith.muli %add3A_168, %mul3A_169 : i32
        %get3A_171 = arith.index_cast %mul3A_170 : i32 to index
        %get3A_172 = tpu.vector_load %arg9[%get3A_171] {strides = array<i32>} : memref<16384xi32, #tpu.memory_space<vmem>>, vector<16xi32>,
        %broadcast_in_dim3A_173 = arith.constant true
        %broadcast_in_dim3A_174 = vector.broadcast %broadcast_in_dim3A_173 : i1 to vector<16xi1>
        %masked_cumsum3A_175 = tpu.scan <sum>, %get3A_172 masked %broadcast_in_dim3A_174 : vector<16xi32>, vector<16xi1> -> vector<16xi32>
        %add3A_176 = vector.broadcast %add3A_164 : i32 to vector<16xi32>
        %add3A_177 = arith.addi %add3A_176, %masked_cumsum3A_175 : vector<16xi32>
        %sub3A_178 = arith.subi %add3A_177, %get3A_172 : vector<16xi32>
        %swap3A_179 = arith.index_cast %mul3A_170 : i32 to index
        %swap3A_180 = tpu.vector_load %arg9[%swap3A_179] {strides = array<i32>} : memref<16384xi32, #tpu.memory_space<vmem>>, vector<16xi32>,
        tpu.vector_store %arg9[%swap3A_179], %sub3A_178 {strides = array<i32>} : memref<16384xi32, #tpu.memory_space<vmem>>, vector<16xi32>,
        %reduce_sum3A_181 = arith.constant true
        %reduce_sum3A_182 = vector.broadcast %reduce_sum3A_181 : i1 to vector<16xi1>
        %reduce_sum3A_183 = tpu.scan <sum>, %get3A_172 masked %reduce_sum3A_182 : vector<16xi32>, vector<16xi1> -> vector<16xi32>
        %reduce_sum3A_184 = vector.extract %reduce_sum3A_183[15] : i32 from vector<16xi32>
        %add3A_185 = arith.addi %add3A_164, %reduce_sum3A_184 : i32
        %mul3A_186 = arith.constant 4 : i32
        %mul3A_187 = arith.muli %scan3A_126, %mul3A_186 : i32
        %add3A_188 = arith.constant 3 : i32
        %add3A_189 = arith.addi %mul3A_187, %add3A_188 : i32
        %mul3A_190 = arith.constant 16 : i32
        %mul3A_191 = arith.muli %add3A_189, %mul3A_190 : i32
        %get3A_192 = arith.index_cast %mul3A_191 : i32 to index
        %get3A_193 = tpu.vector_load %arg9[%get3A_192] {strides = array<i32>} : memref<16384xi32, #tpu.memory_space<vmem>>, vector<16xi32>,
        %broadcast_in_dim3A_194 = arith.constant true
        %broadcast_in_dim3A_195 = vector.broadcast %broadcast_in_dim3A_194 : i1 to vector<16xi1>
        %masked_cumsum3A_196 = tpu.scan <sum>, %get3A_193 masked %broadcast_in_dim3A_195 : vector<16xi32>, vector<16xi1> -> vector<16xi32>
        %add3A_197 = vector.broadcast %add3A_185 : i32 to vector<16xi32>
        %add3A_198 = arith.addi %add3A_197, %masked_cumsum3A_196 : vector<16xi32>
        %sub3A_199 = arith.subi %add3A_198, %get3A_193 : vector<16xi32>
        %swap3A_200 = arith.index_cast %mul3A_191 : i32 to index
        %swap3A_201 = tpu.vector_load %arg9[%swap3A_200] {strides = array<i32>} : memref<16384xi32, #tpu.memory_space<vmem>>, vector<16xi32>,
        tpu.vector_store %arg9[%swap3A_200], %sub3A_199 {strides = array<i32>} : memref<16384xi32, #tpu.memory_space<vmem>>, vector<16xi32>,
        %reduce_sum3A_202 = arith.constant true
        %reduce_sum3A_203 = vector.broadcast %reduce_sum3A_202 : i1 to vector<16xi1>
        %reduce_sum3A_204 = tpu.scan <sum>, %get3A_193 masked %reduce_sum3A_203 : vector<16xi32>, vector<16xi1> -> vector<16xi32>
        %reduce_sum3A_205 = vector.extract %reduce_sum3A_204[15] : i32 from vector<16xi32>
        %add3A_206 = arith.addi %add3A_185, %reduce_sum3A_205 : i32
        scf.yield %add3A_206 : i32
      }
      %scan3A_93 = arith.constant 256 : i32
      %scan3A_94 = arith.constant 0 : i32
      %scan3A_95 = arith.constant 0 : i32
      %scan3A_96 = arith.constant 315 : i32
      %scan3A_97 = arith.addi %scan3A_95, %scan3A_96 : i32
      %scan3A_98 = arith.constant 1 : i32
      %scan3A_99 = scf.for %scan3A_126 = %scan3A_95 to %scan3A_97 step %scan3A_98 iter_args(%scan3A_127 = %scan3A_94) -> (i32)  : i32 {
        %mul3A_128 = arith.constant 5 : i32
        %mul3A_129 = arith.muli %scan3A_126, %mul3A_128 : i32
        %add3A_130 = arith.constant 0 : i32
        %add3A_131 = arith.addi %mul3A_129, %add3A_130 : i32
        %add3A_132 = vector.broadcast %add3A_131 : i32 to vector<16xi32>
        %add3A_133 = arith.addi %mul3A_5, %add3A_132 : vector<16xi32>
        %gather3A = tpu.vector_load_idx %arg5[%add3A_133] : memref<25200xi32, #tpu.memory_space<vmem>>[vector<16xi32>], vector<16xi32>,
        %gather3A_134 = tpu.vector_load_idx %arg6[%add3A_133] : memref<25200xi32, #tpu.memory_space<vmem>>[vector<16xi32>], vector<16xi32>,
        %shift_right_logical3A = arith.constant 20 : i32
        %shift_right_logical3A_135 = vector.broadcast %shift_right_logical3A : i32 to vector<16xi32>
        %shift_right_logical3A_136 = arith.shrui %gather3A, %shift_right_logical3A_135 : vector<16xi32>
        %and3A = arith.constant 1023 : i32
        %and3A_137 = vector.broadcast %and3A : i32 to vector<16xi32>
        %and3A_138 = arith.andi %shift_right_logical3A_136, %and3A_137 : vector<16xi32>
        %mul3A_139 = arith.constant 16 : i32
        %mul3A_140 = vector.broadcast %mul3A_139 : i32 to vector<16xi32>
        %mul3A_141 = arith.muli %and3A_138, %mul3A_140 : vector<16xi32>
        %add3A_142 = arith.addi %mul3A_141, %iota3A : vector<16xi32>
        %gather3A_143 = tpu.vector_load_idx %arg9[%add3A_142] : memref<16384xi32, #tpu.memory_space<vmem>>[vector<16xi32>], vector<16xi32>,
        tpu.vector_store_idx %arg7[%gather3A_143], %gather3A : memref<25200xi32, #tpu.memory_space<vmem>>[vector<16xi32>], vector<16xi32>,
        tpu.vector_store_idx %arg8[%gather3A_143], %gather3A_134 : memref<25200xi32, #tpu.memory_space<vmem>>[vector<16xi32>], vector<16xi32>,
        tpu.vector_store_idx %arg9[%add3A_142], %broadcast_in_dim3A_6 {add = true} : memref<16384xi32, #tpu.memory_space<vmem>>[vector<16xi32>], vector<16xi32>,
        %mul3A_144 = arith.constant 5 : i32
        %mul3A_145 = arith.muli %scan3A_126, %mul3A_144 : i32
        %add3A_146 = arith.constant 1 : i32
        %add3A_147 = arith.addi %mul3A_145, %add3A_146 : i32
        %add3A_148 = vector.broadcast %add3A_147 : i32 to vector<16xi32>
        %add3A_149 = arith.addi %mul3A_5, %add3A_148 : vector<16xi32>
        %gather3A_150 = tpu.vector_load_idx %arg5[%add3A_149] : memref<25200xi32, #tpu.memory_space<vmem>>[vector<16xi32>], vector<16xi32>,
        %gather3A_151 = tpu.vector_load_idx %arg6[%add3A_149] : memref<25200xi32, #tpu.memory_space<vmem>>[vector<16xi32>], vector<16xi32>,
        %shift_right_logical3A_152 = arith.constant 20 : i32
        %shift_right_logical3A_153 = vector.broadcast %shift_right_logical3A_152 : i32 to vector<16xi32>
        %shift_right_logical3A_154 = arith.shrui %gather3A_150, %shift_right_logical3A_153 : vector<16xi32>
        %and3A_155 = arith.constant 1023 : i32
        %and3A_156 = vector.broadcast %and3A_155 : i32 to vector<16xi32>
        %and3A_157 = arith.andi %shift_right_logical3A_154, %and3A_156 : vector<16xi32>
        %mul3A_158 = arith.constant 16 : i32
        %mul3A_159 = vector.broadcast %mul3A_158 : i32 to vector<16xi32>
        %mul3A_160 = arith.muli %and3A_157, %mul3A_159 : vector<16xi32>
        %add3A_161 = arith.addi %mul3A_160, %iota3A : vector<16xi32>
        %gather3A_162 = tpu.vector_load_idx %arg9[%add3A_161] : memref<16384xi32, #tpu.memory_space<vmem>>[vector<16xi32>], vector<16xi32>,
        tpu.vector_store_idx %arg7[%gather3A_162], %gather3A_150 : memref<25200xi32, #tpu.memory_space<vmem>>[vector<16xi32>], vector<16xi32>,
        tpu.vector_store_idx %arg8[%gather3A_162], %gather3A_151 : memref<25200xi32, #tpu.memory_space<vmem>>[vector<16xi32>], vector<16xi32>,
        tpu.vector_store_idx %arg9[%add3A_161], %broadcast_in_dim3A_6 {add = true} : memref<16384xi32, #tpu.memory_space<vmem>>[vector<16xi32>], vector<16xi32>,
        %mul3A_163 = arith.constant 5 : i32
        %mul3A_164 = arith.muli %scan3A_126, %mul3A_163 : i32
        %add3A_165 = arith.constant 2 : i32
        %add3A_166 = arith.addi %mul3A_164, %add3A_165 : i32
        %add3A_167 = vector.broadcast %add3A_166 : i32 to vector<16xi32>
        %add3A_168 = arith.addi %mul3A_5, %add3A_167 : vector<16xi32>
        %gather3A_169 = tpu.vector_load_idx %arg5[%add3A_168] : memref<25200xi32, #tpu.memory_space<vmem>>[vector<16xi32>], vector<16xi32>,
        %gather3A_170 = tpu.vector_load_idx %arg6[%add3A_168] : memref<25200xi32, #tpu.memory_space<vmem>>[vector<16xi32>], vector<16xi32>,
        %shift_right_logical3A_171 = arith.constant 20 : i32
        %shift_right_logical3A_172 = vector.broadcast %shift_right_logical3A_171 : i32 to vector<16xi32>
        %shift_right_logical3A_173 = arith.shrui %gather3A_169, %shift_right_logical3A_172 : vector<16xi32>
        %and3A_174 = arith.constant 1023 : i32
        %and3A_175 = vector.broadcast %and3A_174 : i32 to vector<16xi32>
        %and3A_176 = arith.andi %shift_right_logical3A_173, %and3A_175 : vector<16xi32>
        %mul3A_177 = arith.constant 16 : i32
        %mul3A_178 = vector.broadcast %mul3A_177 : i32 to vector<16xi32>
        %mul3A_179 = arith.muli %and3A_176, %mul3A_178 : vector<16xi32>
        %add3A_180 = arith.addi %mul3A_179, %iota3A : vector<16xi32>
        %gather3A_181 = tpu.vector_load_idx %arg9[%add3A_180] : memref<16384xi32, #tpu.memory_space<vmem>>[vector<16xi32>], vector<16xi32>,
        tpu.vector_store_idx %arg7[%gather3A_181], %gather3A_169 : memref<25200xi32, #tpu.memory_space<vmem>>[vector<16xi32>], vector<16xi32>,
        tpu.vector_store_idx %arg8[%gather3A_181], %gather3A_170 : memref<25200xi32, #tpu.memory_space<vmem>>[vector<16xi32>], vector<16xi32>,
        tpu.vector_store_idx %arg9[%add3A_180], %broadcast_in_dim3A_6 {add = true} : memref<16384xi32, #tpu.memory_space<vmem>>[vector<16xi32>], vector<16xi32>,
        %mul3A_182 = arith.constant 5 : i32
        %mul3A_183 = arith.muli %scan3A_126, %mul3A_182 : i32
        %add3A_184 = arith.constant 3 : i32
        %add3A_185 = arith.addi %mul3A_183, %add3A_184 : i32
        %add3A_186 = vector.broadcast %add3A_185 : i32 to vector<16xi32>
        %add3A_187 = arith.addi %mul3A_5, %add3A_186 : vector<16xi32>
        %gather3A_188 = tpu.vector_load_idx %arg5[%add3A_187] : memref<25200xi32, #tpu.memory_space<vmem>>[vector<16xi32>], vector<16xi32>,
        %gather3A_189 = tpu.vector_load_idx %arg6[%add3A_187] : memref<25200xi32, #tpu.memory_space<vmem>>[vector<16xi32>], vector<16xi32>,
        %shift_right_logical3A_190 = arith.constant 20 : i32
        %shift_right_logical3A_191 = vector.broadcast %shift_right_logical3A_190 : i32 to vector<16xi32>
        %shift_right_logical3A_192 = arith.shrui %gather3A_188, %shift_right_logical3A_191 : vector<16xi32>
        %and3A_193 = arith.constant 1023 : i32
        %and3A_194 = vector.broadcast %and3A_193 : i32 to vector<16xi32>
        %and3A_195 = arith.andi %shift_right_logical3A_192, %and3A_194 : vector<16xi32>
        %mul3A_196 = arith.constant 16 : i32
        %mul3A_197 = vector.broadcast %mul3A_196 : i32 to vector<16xi32>
        %mul3A_198 = arith.muli %and3A_195, %mul3A_197 : vector<16xi32>
        %add3A_199 = arith.addi %mul3A_198, %iota3A : vector<16xi32>
        %gather3A_200 = tpu.vector_load_idx %arg9[%add3A_199] : memref<16384xi32, #tpu.memory_space<vmem>>[vector<16xi32>], vector<16xi32>,
        tpu.vector_store_idx %arg7[%gather3A_200], %gather3A_188 : memref<25200xi32, #tpu.memory_space<vmem>>[vector<16xi32>], vector<16xi32>,
        tpu.vector_store_idx %arg8[%gather3A_200], %gather3A_189 : memref<25200xi32, #tpu.memory_space<vmem>>[vector<16xi32>], vector<16xi32>,
        tpu.vector_store_idx %arg9[%add3A_199], %broadcast_in_dim3A_6 {add = true} : memref<16384xi32, #tpu.memory_space<vmem>>[vector<16xi32>], vector<16xi32>,
        %mul3A_201 = arith.constant 5 : i32
        %mul3A_202 = arith.muli %scan3A_126, %mul3A_201 : i32
        %add3A_203 = arith.constant 4 : i32
        %add3A_204 = arith.addi %mul3A_202, %add3A_203 : i32
        %add3A_205 = vector.broadcast %add3A_204 : i32 to vector<16xi32>
        %add3A_206 = arith.addi %mul3A_5, %add3A_205 : vector<16xi32>
        %gather3A_207 = tpu.vector_load_idx %arg5[%add3A_206] : memref<25200xi32, #tpu.memory_space<vmem>>[vector<16xi32>], vector<16xi32>,
        %gather3A_208 = tpu.vector_load_idx %arg6[%add3A_206] : memref<25200xi32, #tpu.memory_space<vmem>>[vector<16xi32>], vector<16xi32>,
        %shift_right_logical3A_209 = arith.constant 20 : i32
        %shift_right_logical3A_210 = vector.broadcast %shift_right_logical3A_209 : i32 to vector<16xi32>
        %shift_right_logical3A_211 = arith.shrui %gather3A_207, %shift_right_logical3A_210 : vector<16xi32>
        %and3A_212 = arith.constant 1023 : i32
        %and3A_213 = vector.broadcast %and3A_212 : i32 to vector<16xi32>
        %and3A_214 = arith.andi %shift_right_logical3A_211, %and3A_213 : vector<16xi32>
        %mul3A_215 = arith.constant 16 : i32
        %mul3A_216 = vector.broadcast %mul3A_215 : i32 to vector<16xi32>
        %mul3A_217 = arith.muli %and3A_214, %mul3A_216 : vector<16xi32>
        %add3A_218 = arith.addi %mul3A_217, %iota3A : vector<16xi32>
        %gather3A_219 = tpu.vector_load_idx %arg9[%add3A_218] : memref<16384xi32, #tpu.memory_space<vmem>>[vector<16xi32>], vector<16xi32>,
        tpu.vector_store_idx %arg7[%gather3A_219], %gather3A_207 : memref<25200xi32, #tpu.memory_space<vmem>>[vector<16xi32>], vector<16xi32>,
        tpu.vector_store_idx %arg8[%gather3A_219], %gather3A_208 : memref<25200xi32, #tpu.memory_space<vmem>>[vector<16xi32>], vector<16xi32>,
        tpu.vector_store_idx %arg9[%add3A_218], %broadcast_in_dim3A_6 {add = true} : memref<16384xi32, #tpu.memory_space<vmem>>[vector<16xi32>], vector<16xi32>,
        %scan3A_220 = arith.constant 0 : i32
        scf.yield %scan3A_220 : i32
      }
      %scan3A_100 = arith.constant 315 : i32
      %scan3A_101 = arith.constant 0 : i32
      %scan3A_102 = arith.constant 0 : i32
      %scan3A_103 = arith.constant 63 : i32
      %scan3A_104 = arith.addi %scan3A_102, %scan3A_103 : i32
      %scan3A_105 = arith.constant 1 : i32
      %scan3A_106 = scf.for %scan3A_126 = %scan3A_102 to %scan3A_104 step %scan3A_105 iter_args(%scan3A_127 = %scan3A_101) -> (i32)  : i32 {
        %mul3A_128 = arith.constant 5 : i32
        %mul3A_129 = arith.muli %scan3A_126, %mul3A_128 : i32
        %add3A_130 = arith.constant 0 : i32
        %add3A_131 = arith.addi %mul3A_129, %add3A_130 : i32
        %mul3A_132 = arith.constant 16 : i32
        %mul3A_133 = arith.muli %add3A_131, %mul3A_132 : i32
        %get3A = arith.index_cast %mul3A_133 : i32 to index
        %get3A_134 = tpu.vector_load %arg7[%get3A] {strides = array<i32>} : memref<25200xi32, #tpu.memory_space<vmem>>, vector<16xi32>,
        %not3A = arith.constant dense<-1> : vector<16xi32>
        %not3A_135 = arith.xori %get3A_134, %not3A : vector<16xi32>
        %swap3A = arith.index_cast %mul3A_133 : i32 to index
        %swap3A_136 = tpu.vector_load %arg5[%swap3A] {strides = array<i32>} : memref<25200xi32, #tpu.memory_space<vmem>>, vector<16xi32>,
        tpu.vector_store %arg5[%swap3A], %not3A_135 {strides = array<i32>} : memref<25200xi32, #tpu.memory_space<vmem>>, vector<16xi32>,
        %mul3A_137 = arith.constant 5 : i32
        %mul3A_138 = arith.muli %scan3A_126, %mul3A_137 : i32
        %add3A_139 = arith.constant 1 : i32
        %add3A_140 = arith.addi %mul3A_138, %add3A_139 : i32
        %mul3A_141 = arith.constant 16 : i32
        %mul3A_142 = arith.muli %add3A_140, %mul3A_141 : i32
        %get3A_143 = arith.index_cast %mul3A_142 : i32 to index
        %get3A_144 = tpu.vector_load %arg7[%get3A_143] {strides = array<i32>} : memref<25200xi32, #tpu.memory_space<vmem>>, vector<16xi32>,
        %not3A_145 = arith.constant dense<-1> : vector<16xi32>
        %not3A_146 = arith.xori %get3A_144, %not3A_145 : vector<16xi32>
        %swap3A_147 = arith.index_cast %mul3A_142 : i32 to index
        %swap3A_148 = tpu.vector_load %arg5[%swap3A_147] {strides = array<i32>} : memref<25200xi32, #tpu.memory_space<vmem>>, vector<16xi32>,
        tpu.vector_store %arg5[%swap3A_147], %not3A_146 {strides = array<i32>} : memref<25200xi32, #tpu.memory_space<vmem>>, vector<16xi32>,
        %mul3A_149 = arith.constant 5 : i32
        %mul3A_150 = arith.muli %scan3A_126, %mul3A_149 : i32
        %add3A_151 = arith.constant 2 : i32
        %add3A_152 = arith.addi %mul3A_150, %add3A_151 : i32
        %mul3A_153 = arith.constant 16 : i32
        %mul3A_154 = arith.muli %add3A_152, %mul3A_153 : i32
        %get3A_155 = arith.index_cast %mul3A_154 : i32 to index
        %get3A_156 = tpu.vector_load %arg7[%get3A_155] {strides = array<i32>} : memref<25200xi32, #tpu.memory_space<vmem>>, vector<16xi32>,
        %not3A_157 = arith.constant dense<-1> : vector<16xi32>
        %not3A_158 = arith.xori %get3A_156, %not3A_157 : vector<16xi32>
        %swap3A_159 = arith.index_cast %mul3A_154 : i32 to index
        %swap3A_160 = tpu.vector_load %arg5[%swap3A_159] {strides = array<i32>} : memref<25200xi32, #tpu.memory_space<vmem>>, vector<16xi32>,
        tpu.vector_store %arg5[%swap3A_159], %not3A_158 {strides = array<i32>} : memref<25200xi32, #tpu.memory_space<vmem>>, vector<16xi32>,
        %mul3A_161 = arith.constant 5 : i32
        %mul3A_162 = arith.muli %scan3A_126, %mul3A_161 : i32
        %add3A_163 = arith.constant 3 : i32
        %add3A_164 = arith.addi %mul3A_162, %add3A_163 : i32
        %mul3A_165 = arith.constant 16 : i32
        %mul3A_166 = arith.muli %add3A_164, %mul3A_165 : i32
        %get3A_167 = arith.index_cast %mul3A_166 : i32 to index
        %get3A_168 = tpu.vector_load %arg7[%get3A_167] {strides = array<i32>} : memref<25200xi32, #tpu.memory_space<vmem>>, vector<16xi32>,
        %not3A_169 = arith.constant dense<-1> : vector<16xi32>
        %not3A_170 = arith.xori %get3A_168, %not3A_169 : vector<16xi32>
        %swap3A_171 = arith.index_cast %mul3A_166 : i32 to index
        %swap3A_172 = tpu.vector_load %arg5[%swap3A_171] {strides = array<i32>} : memref<25200xi32, #tpu.memory_space<vmem>>, vector<16xi32>,
        tpu.vector_store %arg5[%swap3A_171], %not3A_170 {strides = array<i32>} : memref<25200xi32, #tpu.memory_space<vmem>>, vector<16xi32>,
        %mul3A_173 = arith.constant 5 : i32
        %mul3A_174 = arith.muli %scan3A_126, %mul3A_173 : i32
        %add3A_175 = arith.constant 4 : i32
        %add3A_176 = arith.addi %mul3A_174, %add3A_175 : i32
        %mul3A_177 = arith.constant 16 : i32
        %mul3A_178 = arith.muli %add3A_176, %mul3A_177 : i32
        %get3A_179 = arith.index_cast %mul3A_178 : i32 to index
        %get3A_180 = tpu.vector_load %arg7[%get3A_179] {strides = array<i32>} : memref<25200xi32, #tpu.memory_space<vmem>>, vector<16xi32>,
        %not3A_181 = arith.constant dense<-1> : vector<16xi32>
        %not3A_182 = arith.xori %get3A_180, %not3A_181 : vector<16xi32>
        %swap3A_183 = arith.index_cast %mul3A_178 : i32 to index
        %swap3A_184 = tpu.vector_load %arg5[%swap3A_183] {strides = array<i32>} : memref<25200xi32, #tpu.memory_space<vmem>>, vector<16xi32>,
        tpu.vector_store %arg5[%swap3A_183], %not3A_182 {strides = array<i32>} : memref<25200xi32, #tpu.memory_space<vmem>>, vector<16xi32>,
        %scan3A_185 = arith.constant 0 : i32
        scf.yield %scan3A_185 : i32
      }
      %scan3A_107 = arith.constant 63 : i32
      %mul3A_108 = arith.constant 5040 : i32
      %mul3A_109 = arith.muli %add3A, %mul3A_108 : i32
      "tpu.region"() ({
        %run_scoped3A = tpu.sem_alloc : memref<!tpu.dma_semaphore, #tpu.memory_space<semaphore_mem>>
        %dma_start3A = arith.constant 0 : i32
        %dma_start3A_126 = tpu.memref_slice %arg5[%dma_start3A] : memref<25200xi32, #tpu.memory_space<vmem>> -> memref<5040xi32, #tpu.memory_space<vmem>>
        %dma_start3A_127 = tpu.memref_slice %arg3[%mul3A_109] : memref<40320xi32, #tpu.memory_space<hbm>> -> memref<5040xi32, #tpu.memory_space<hbm>>
        %dma_start3A_128 = tpu.memref_slice %arg3[%mul3A_109] : memref<40320xi32, #tpu.memory_space<hbm>> -> memref<5040xi32, #tpu.memory_space<hbm>>
        %dma_start3A_129 = arith.constant 0 : i32
        %dma_start3A_130 = tpu.memref_slice %arg5[%dma_start3A_129] : memref<25200xi32, #tpu.memory_space<vmem>> -> memref<5040xi32, #tpu.memory_space<vmem>>
        tpu.enqueue_dma source(%dma_start3A_130 : memref<5040xi32, #tpu.memory_space<vmem>>) target(%dma_start3A_128 : memref<5040xi32, #tpu.memory_space<hbm>>) target_semaphore(%run_scoped3A : memref<!tpu.dma_semaphore, #tpu.memory_space<semaphore_mem>>)
        %dma_wait3A = arith.constant 0 : i32
        %dma_wait3A_131 = tpu.memref_slice %arg5[%dma_wait3A] : memref<25200xi32, #tpu.memory_space<vmem>> -> memref<5040xi32, #tpu.memory_space<vmem>>
        %dma_wait3A_132 = tpu.memref_slice %arg3[%mul3A_109] : memref<40320xi32, #tpu.memory_space<hbm>> -> memref<5040xi32, #tpu.memory_space<hbm>>
        %dma_wait3A_133 = tpu.memref_slice %arg3[%mul3A_109] : memref<40320xi32, #tpu.memory_space<hbm>> -> memref<5040xi32, #tpu.memory_space<hbm>>
        %dma_wait3A_134 = arith.constant 0 : i32
        %dma_wait3A_135 = tpu.memref_slice %arg5[%dma_wait3A_134] : memref<25200xi32, #tpu.memory_space<vmem>> -> memref<5040xi32, #tpu.memory_space<vmem>>
        tpu.wait_dma2 semaphore(%run_scoped3A : memref<!tpu.dma_semaphore, #tpu.memory_space<semaphore_mem>>) src(%dma_wait3A_135 : memref<5040xi32, #tpu.memory_space<vmem>>) dst(%dma_wait3A_133 : memref<5040xi32, #tpu.memory_space<hbm>>)
        tpu.yield
      }) : () -> ()
      %scan3A_110 = arith.constant 0 : i32
      %scan3A_111 = arith.constant 0 : i32
      %scan3A_112 = arith.constant 315 : i32
      %scan3A_113 = arith.addi %scan3A_111, %scan3A_112 : i32
      %scan3A_114 = arith.constant 1 : i32
      %scan3A_115 = scf.for %scan3A_126 = %scan3A_111 to %scan3A_113 step %scan3A_114 iter_args(%scan3A_127 = %scan3A_110) -> (i32)  : i32 {
        %mul3A_128 = arith.constant 5 : i32
        %mul3A_129 = arith.muli %scan3A_126, %mul3A_128 : i32
        %add3A_130 = arith.constant 0 : i32
        %add3A_131 = arith.addi %mul3A_129, %add3A_130 : i32
        %mul3A_132 = arith.constant 16 : i32
        %mul3A_133 = arith.muli %add3A_131, %mul3A_132 : i32
        %swap3A = arith.index_cast %mul3A_133 : i32 to index
        %swap3A_134 = tpu.vector_load %arg6[%swap3A] {strides = array<i32>} : memref<25200xi32, #tpu.memory_space<vmem>>, vector<16xi32>,
        tpu.vector_store %arg6[%swap3A], %broadcast_in_dim3A_8 {strides = array<i32>} : memref<25200xi32, #tpu.memory_space<vmem>>, vector<16xi32>,
        %mul3A_135 = arith.constant 5 : i32
        %mul3A_136 = arith.muli %scan3A_126, %mul3A_135 : i32
        %add3A_137 = arith.constant 1 : i32
        %add3A_138 = arith.addi %mul3A_136, %add3A_137 : i32
        %mul3A_139 = arith.constant 16 : i32
        %mul3A_140 = arith.muli %add3A_138, %mul3A_139 : i32
        %swap3A_141 = arith.index_cast %mul3A_140 : i32 to index
        %swap3A_142 = tpu.vector_load %arg6[%swap3A_141] {strides = array<i32>} : memref<25200xi32, #tpu.memory_space<vmem>>, vector<16xi32>,
        tpu.vector_store %arg6[%swap3A_141], %broadcast_in_dim3A_8 {strides = array<i32>} : memref<25200xi32, #tpu.memory_space<vmem>>, vector<16xi32>,
        %mul3A_143 = arith.constant 5 : i32
        %mul3A_144 = arith.muli %scan3A_126, %mul3A_143 : i32
        %add3A_145 = arith.constant 2 : i32
        %add3A_146 = arith.addi %mul3A_144, %add3A_145 : i32
        %mul3A_147 = arith.constant 16 : i32
        %mul3A_148 = arith.muli %add3A_146, %mul3A_147 : i32
        %swap3A_149 = arith.index_cast %mul3A_148 : i32 to index
        %swap3A_150 = tpu.vector_load %arg6[%swap3A_149] {strides = array<i32>} : memref<25200xi32, #tpu.memory_space<vmem>>, vector<16xi32>,
        tpu.vector_store %arg6[%swap3A_149], %broadcast_in_dim3A_8 {strides = array<i32>} : memref<25200xi32, #tpu.memory_space<vmem>>, vector<16xi32>,
        %mul3A_151 = arith.constant 5 : i32
        %mul3A_152 = arith.muli %scan3A_126, %mul3A_151 : i32
        %add3A_153 = arith.constant 3 : i32
        %add3A_154 = arith.addi %mul3A_152, %add3A_153 : i32
        %mul3A_155 = arith.constant 16 : i32
        %mul3A_156 = arith.muli %add3A_154, %mul3A_155 : i32
        %swap3A_157 = arith.index_cast %mul3A_156 : i32 to index
        %swap3A_158 = tpu.vector_load %arg6[%swap3A_157] {strides = array<i32>} : memref<25200xi32, #tpu.memory_space<vmem>>, vector<16xi32>,
        tpu.vector_store %arg6[%swap3A_157], %broadcast_in_dim3A_8 {strides = array<i32>} : memref<25200xi32, #tpu.memory_space<vmem>>, vector<16xi32>,
        %mul3A_159 = arith.constant 5 : i32
        %mul3A_160 = arith.muli %scan3A_126, %mul3A_159 : i32
        %add3A_161 = arith.constant 4 : i32
        %add3A_162 = arith.addi %mul3A_160, %add3A_161 : i32
        %mul3A_163 = arith.constant 16 : i32
        %mul3A_164 = arith.muli %add3A_162, %mul3A_163 : i32
        %swap3A_165 = arith.index_cast %mul3A_164 : i32 to index
        %swap3A_166 = tpu.vector_load %arg6[%swap3A_165] {strides = array<i32>} : memref<25200xi32, #tpu.memory_space<vmem>>, vector<16xi32>,
        tpu.vector_store %arg6[%swap3A_165], %broadcast_in_dim3A_8 {strides = array<i32>} : memref<25200xi32, #tpu.memory_space<vmem>>, vector<16xi32>,
        %scan3A_167 = arith.constant 0 : i32
        scf.yield %scan3A_167 : i32
      }
      %scan3A_116 = arith.constant 315 : i32
      %scan3A_117 = arith.constant 0 : i32
      %scan3A_118 = arith.constant 0 : i32
      %scan3A_119 = arith.constant 63 : i32
      %scan3A_120 = arith.addi %scan3A_118, %scan3A_119 : i32
      %scan3A_121 = arith.constant 1 : i32
      %scan3A_122 = scf.for %scan3A_126 = %scan3A_118 to %scan3A_120 step %scan3A_121 iter_args(%scan3A_127 = %scan3A_117) -> (i32)  : i32 {
        %mul3A_128 = arith.constant 5 : i32
        %mul3A_129 = arith.muli %scan3A_126, %mul3A_128 : i32
        %add3A_130 = arith.constant 0 : i32
        %add3A_131 = arith.addi %mul3A_129, %add3A_130 : i32
        %mul3A_132 = arith.constant 16 : i32
        %mul3A_133 = arith.muli %add3A_131, %mul3A_132 : i32
        %get3A = arith.index_cast %mul3A_133 : i32 to index
        %get3A_134 = tpu.vector_load %arg8[%get3A] {strides = array<i32>} : memref<25200xi32, #tpu.memory_space<vmem>>, vector<16xi32>,
        %get3A_135 = arith.index_cast %mul3A_133 : i32 to index
        %get3A_136 = tpu.vector_load %arg7[%get3A_135] {strides = array<i32>} : memref<25200xi32, #tpu.memory_space<vmem>>, vector<16xi32>,
        %not3A = arith.constant dense<-1> : vector<16xi32>
        %not3A_137 = arith.xori %get3A_136, %not3A : vector<16xi32>
        tpu.vector_store_idx %arg6[%get3A_134], %not3A_137 : memref<25200xi32, #tpu.memory_space<vmem>>[vector<16xi32>], vector<16xi32>,
        %mul3A_138 = arith.constant 5 : i32
        %mul3A_139 = arith.muli %scan3A_126, %mul3A_138 : i32
        %add3A_140 = arith.constant 1 : i32
        %add3A_141 = arith.addi %mul3A_139, %add3A_140 : i32
        %mul3A_142 = arith.constant 16 : i32
        %mul3A_143 = arith.muli %add3A_141, %mul3A_142 : i32
        %get3A_144 = arith.index_cast %mul3A_143 : i32 to index
        %get3A_145 = tpu.vector_load %arg8[%get3A_144] {strides = array<i32>} : memref<25200xi32, #tpu.memory_space<vmem>>, vector<16xi32>,
        %get3A_146 = arith.index_cast %mul3A_143 : i32 to index
        %get3A_147 = tpu.vector_load %arg7[%get3A_146] {strides = array<i32>} : memref<25200xi32, #tpu.memory_space<vmem>>, vector<16xi32>,
        %not3A_148 = arith.constant dense<-1> : vector<16xi32>
        %not3A_149 = arith.xori %get3A_147, %not3A_148 : vector<16xi32>
        tpu.vector_store_idx %arg6[%get3A_145], %not3A_149 : memref<25200xi32, #tpu.memory_space<vmem>>[vector<16xi32>], vector<16xi32>,
        %mul3A_150 = arith.constant 5 : i32
        %mul3A_151 = arith.muli %scan3A_126, %mul3A_150 : i32
        %add3A_152 = arith.constant 2 : i32
        %add3A_153 = arith.addi %mul3A_151, %add3A_152 : i32
        %mul3A_154 = arith.constant 16 : i32
        %mul3A_155 = arith.muli %add3A_153, %mul3A_154 : i32
        %get3A_156 = arith.index_cast %mul3A_155 : i32 to index
        %get3A_157 = tpu.vector_load %arg8[%get3A_156] {strides = array<i32>} : memref<25200xi32, #tpu.memory_space<vmem>>, vector<16xi32>,
        %get3A_158 = arith.index_cast %mul3A_155 : i32 to index
        %get3A_159 = tpu.vector_load %arg7[%get3A_158] {strides = array<i32>} : memref<25200xi32, #tpu.memory_space<vmem>>, vector<16xi32>,
        %not3A_160 = arith.constant dense<-1> : vector<16xi32>
        %not3A_161 = arith.xori %get3A_159, %not3A_160 : vector<16xi32>
        tpu.vector_store_idx %arg6[%get3A_157], %not3A_161 : memref<25200xi32, #tpu.memory_space<vmem>>[vector<16xi32>], vector<16xi32>,
        %mul3A_162 = arith.constant 5 : i32
        %mul3A_163 = arith.muli %scan3A_126, %mul3A_162 : i32
        %add3A_164 = arith.constant 3 : i32
        %add3A_165 = arith.addi %mul3A_163, %add3A_164 : i32
        %mul3A_166 = arith.constant 16 : i32
        %mul3A_167 = arith.muli %add3A_165, %mul3A_166 : i32
        %get3A_168 = arith.index_cast %mul3A_167 : i32 to index
        %get3A_169 = tpu.vector_load %arg8[%get3A_168] {strides = array<i32>} : memref<25200xi32, #tpu.memory_space<vmem>>, vector<16xi32>,
        %get3A_170 = arith.index_cast %mul3A_167 : i32 to index
        %get3A_171 = tpu.vector_load %arg7[%get3A_170] {strides = array<i32>} : memref<25200xi32, #tpu.memory_space<vmem>>, vector<16xi32>,
        %not3A_172 = arith.constant dense<-1> : vector<16xi32>
        %not3A_173 = arith.xori %get3A_171, %not3A_172 : vector<16xi32>
        tpu.vector_store_idx %arg6[%get3A_169], %not3A_173 : memref<25200xi32, #tpu.memory_space<vmem>>[vector<16xi32>], vector<16xi32>,
        %mul3A_174 = arith.constant 5 : i32
        %mul3A_175 = arith.muli %scan3A_126, %mul3A_174 : i32
        %add3A_176 = arith.constant 4 : i32
        %add3A_177 = arith.addi %mul3A_175, %add3A_176 : i32
        %mul3A_178 = arith.constant 16 : i32
        %mul3A_179 = arith.muli %add3A_177, %mul3A_178 : i32
        %get3A_180 = arith.index_cast %mul3A_179 : i32 to index
        %get3A_181 = tpu.vector_load %arg8[%get3A_180] {strides = array<i32>} : memref<25200xi32, #tpu.memory_space<vmem>>, vector<16xi32>,
        %get3A_182 = arith.index_cast %mul3A_179 : i32 to index
        %get3A_183 = tpu.vector_load %arg7[%get3A_182] {strides = array<i32>} : memref<25200xi32, #tpu.memory_space<vmem>>, vector<16xi32>,
        %not3A_184 = arith.constant dense<-1> : vector<16xi32>
        %not3A_185 = arith.xori %get3A_183, %not3A_184 : vector<16xi32>
        tpu.vector_store_idx %arg6[%get3A_181], %not3A_185 : memref<25200xi32, #tpu.memory_space<vmem>>[vector<16xi32>], vector<16xi32>,
        %scan3A_186 = arith.constant 0 : i32
        scf.yield %scan3A_186 : i32
      }
      %scan3A_123 = arith.constant 63 : i32
      %mul3A_124 = arith.constant 25200 : i32
      %mul3A_125 = arith.muli %add3A, %mul3A_124 : i32
      "tpu.region"() ({
        %run_scoped3A = tpu.sem_alloc : memref<!tpu.dma_semaphore, #tpu.memory_space<semaphore_mem>>
        %dma_start3A = tpu.memref_slice %arg4[%mul3A_125] : memref<201600xi32, #tpu.memory_space<hbm>> -> memref<25200xi32, #tpu.memory_space<hbm>>
        %dma_start3A_126 = tpu.memref_slice %arg4[%mul3A_125] : memref<201600xi32, #tpu.memory_space<hbm>> -> memref<25200xi32, #tpu.memory_space<hbm>>
        tpu.enqueue_dma source(%arg6 : memref<25200xi32, #tpu.memory_space<vmem>>) target(%dma_start3A_126 : memref<25200xi32, #tpu.memory_space<hbm>>) target_semaphore(%run_scoped3A : memref<!tpu.dma_semaphore, #tpu.memory_space<semaphore_mem>>)
        %dma_wait3A = tpu.memref_slice %arg4[%mul3A_125] : memref<201600xi32, #tpu.memory_space<hbm>> -> memref<25200xi32, #tpu.memory_space<hbm>>
        %dma_wait3A_127 = tpu.memref_slice %arg4[%mul3A_125] : memref<201600xi32, #tpu.memory_space<hbm>> -> memref<25200xi32, #tpu.memory_space<hbm>>
        tpu.wait_dma2 semaphore(%run_scoped3A : memref<!tpu.dma_semaphore, #tpu.memory_space<semaphore_mem>>) src(%arg6 : memref<25200xi32, #tpu.memory_space<vmem>>) dst(%dma_wait3A_127 : memref<25200xi32, #tpu.memory_space<hbm>>)
        tpu.yield
      }) : () -> ()
    } else {
    }
    return
  }
}

module attributes {stable_mosaic.version = 14 : i64} {
  func.func @_score_body(%arg0: i32, %arg1: i32, %arg2: memref<1x256x8x252xf32, #tpu.memory_space<vmem>>, %arg3: memref<256x256xf32, #tpu.memory_space<vmem>>, %arg4: memref<256x1xf32, #tpu.memory_space<vmem>>, %arg5: memref<256x1xf32, #tpu.memory_space<vmem>>, %arg6: memref<1x1xf32, #tpu.memory_space<vmem>>, %arg7: memref<1x8x252xf32, #tpu.memory_space<vmem>>) attributes {dimension_semantics = [#tpu.dimension_semantics<arbitrary>, #tpu.dimension_semantics<arbitrary>], iteration_bounds = array<i64: 8, 13>, scalar_prefetch = 0 : i64, scratch_operands = 0 : i64, tpu.core_type = #tpu.core_type<tc>, window_params = [{transform_indices = @transform_0, window_bounds = array<i64: 1, 256, 8, 252>}, {pipeline_mode = #tpu.pipeline_mode<synchronous>, transform_indices = @transform_1, window_bounds = array<i64: 256, 256>}, {pipeline_mode = #tpu.pipeline_mode<synchronous>, transform_indices = @transform_2, window_bounds = array<i64: 256, 1>}, {pipeline_mode = #tpu.pipeline_mode<synchronous>, transform_indices = @transform_3, window_bounds = array<i64: 256, 1>}, {pipeline_mode = #tpu.pipeline_mode<synchronous>, transform_indices = @transform_4, window_bounds = array<i64: 1, 1>}, {transform_indices = @transform_5, window_bounds = array<i64: 1, 8, 252>}]} {
    %get3A = arith.constant 0 : index
    %get3A_0 = arith.constant 0 : index
    %get3A_1 = vector.load %arg3[%get3A, %get3A_0] : memref<256x256xf32, #tpu.memory_space<vmem>>, vector<256x256xf32>
    %get3A_2 = arith.constant 0 : index
    %get3A_3 = arith.constant 0 : index
    %get3A_4 = vector.load %arg5[%get3A_2, %get3A_3] : memref<256x1xf32, #tpu.memory_space<vmem>>, vector<256x1xf32>
    %get3A_5 = arith.constant 0 : index
    %get3A_6 = arith.constant 0 : index
    %get3A_7 = arith.constant 0 : index
    %get3A_8 = arith.constant 0 : index
    %get3A_9 = vector.load %arg2[%get3A_5, %get3A_6, %get3A_7, %get3A_8] : memref<1x256x8x252xf32, #tpu.memory_space<vmem>>, vector<1x256x1x252xf32>
    %get3A_10 = vector.shape_cast %get3A_9 : vector<1x256x1x252xf32> to vector<256x252xf32>
    %dot_general3A = arith.constant dense<0.000000e+00> : vector<256x252xf32>
    %dot_general3A_11 = tpu.matmul %get3A_1, %get3A_10, %dot_general3A {dimension_numbers = #tpu.dot_dimension_numbers<[0], [0], [1], [1], [0, 1, 1, 1], [], []>, transpose_lhs_hint = false} : vector<256x256xf32>, vector<256x252xf32>, vector<256x252xf32> -> vector<256x252xf32>
    %get3A_12 = arith.constant 0 : index
    %get3A_13 = arith.constant 0 : index
    %get3A_14 = vector.load %arg4[%get3A_12, %get3A_13] : memref<256x1xf32, #tpu.memory_space<vmem>>, vector<256x1xf32>
    %add3A = vector.broadcast %get3A_14 : vector<256x1xf32> to vector<256x252xf32>
    %add3A_15 = arith.addf %dot_general3A_11, %add3A : vector<256x252xf32>
    %max3A = arith.constant 0.000000e+00 : f32
    %max3A_16 = vector.broadcast %max3A : f32 to vector<256x252xf32>
    %max3A_17 = arith.maximumf %add3A_15, %max3A_16 : vector<256x252xf32>
    %dot_general3A_18 = arith.constant dense<0.000000e+00> : vector<1x252xf32>
    %dot_general3A_19 = tpu.matmul %get3A_4, %max3A_17, %dot_general3A_18 {dimension_numbers = #tpu.dot_dimension_numbers<[0], [0], [1], [1], [0, 1, 1, 1], [], []>, transpose_lhs_hint = false} : vector<256x1xf32>, vector<256x252xf32>, vector<1x252xf32> -> vector<1x252xf32>
    %get3A_20 = arith.constant 0 : index
    %get3A_21 = arith.constant 0 : index
    %get3A_22 = vector.load %arg6[%get3A_20, %get3A_21] : memref<1x1xf32, #tpu.memory_space<vmem>>, vector<1x1xf32>
    %add3A_23 = vector.broadcast %get3A_22 : vector<1x1xf32> to vector<1x252xf32>
    %add3A_24 = arith.addf %dot_general3A_19, %add3A_23 : vector<1x252xf32>
    %logistic3A = arith.negf %add3A_24 : vector<1x252xf32>
    %logistic3A_25 = math.exp %logistic3A : vector<1x252xf32>
    %logistic3A_26 = arith.constant 1.000000e+00 : f32
    %logistic3A_27 = vector.broadcast %logistic3A_26 : f32 to vector<1x252xf32>
    %logistic3A_28 = arith.addf %logistic3A_27, %logistic3A_25 : vector<1x252xf32>
    %logistic3A_29 = arith.divf %logistic3A_27, %logistic3A_28 : vector<1x252xf32>
    %swap3A = arith.constant 0 : index
    %swap3A_30 = arith.constant 0 : index
    %swap3A_31 = arith.constant 0 : index
    %swap3A_32 = vector.load %arg7[%swap3A, %swap3A_30, %swap3A_31] : memref<1x8x252xf32, #tpu.memory_space<vmem>>, vector<1x1x252xf32>
    %swap3A_33 = vector.shape_cast %swap3A_32 : vector<1x1x252xf32> to vector<1x252xf32>
    %swap3A_34 = vector.shape_cast %logistic3A_29 : vector<1x252xf32> to vector<1x1x252xf32>
    tpu.vector_store %arg7[%swap3A, %swap3A_30, %swap3A_31], %swap3A_34 {strides = array<i32>} : memref<1x8x252xf32, #tpu.memory_space<vmem>>, vector<1x1x252xf32>,
    %get3A_35 = arith.constant 0 : index
    %get3A_36 = arith.constant 0 : index
    %get3A_37 = arith.constant 1 : index
    %get3A_38 = arith.constant 0 : index
    %get3A_39 = vector.load %arg2[%get3A_35, %get3A_36, %get3A_37, %get3A_38] : memref<1x256x8x252xf32, #tpu.memory_space<vmem>>, vector<1x256x1x252xf32>
    %get3A_40 = vector.shape_cast %get3A_39 : vector<1x256x1x252xf32> to vector<256x252xf32>
    %dot_general3A_41 = arith.constant dense<0.000000e+00> : vector<256x252xf32>
    %dot_general3A_42 = tpu.matmul %get3A_1, %get3A_40, %dot_general3A_41 {dimension_numbers = #tpu.dot_dimension_numbers<[0], [0], [1], [1], [0, 1, 1, 1], [], []>, transpose_lhs_hint = false} : vector<256x256xf32>, vector<256x252xf32>, vector<256x252xf32> -> vector<256x252xf32>
    %get3A_43 = arith.constant 0 : index
    %get3A_44 = arith.constant 0 : index
    %get3A_45 = vector.load %arg4[%get3A_43, %get3A_44] : memref<256x1xf32, #tpu.memory_space<vmem>>, vector<256x1xf32>
    %add3A_46 = vector.broadcast %get3A_45 : vector<256x1xf32> to vector<256x252xf32>
    %add3A_47 = arith.addf %dot_general3A_42, %add3A_46 : vector<256x252xf32>
    %max3A_48 = arith.constant 0.000000e+00 : f32
    %max3A_49 = vector.broadcast %max3A_48 : f32 to vector<256x252xf32>
    %max3A_50 = arith.maximumf %add3A_47, %max3A_49 : vector<256x252xf32>
    %dot_general3A_51 = arith.constant dense<0.000000e+00> : vector<1x252xf32>
    %dot_general3A_52 = tpu.matmul %get3A_4, %max3A_50, %dot_general3A_51 {dimension_numbers = #tpu.dot_dimension_numbers<[0], [0], [1], [1], [0, 1, 1, 1], [], []>, transpose_lhs_hint = false} : vector<256x1xf32>, vector<256x252xf32>, vector<1x252xf32> -> vector<1x252xf32>
    %get3A_53 = arith.constant 0 : index
    %get3A_54 = arith.constant 0 : index
    %get3A_55 = vector.load %arg6[%get3A_53, %get3A_54] : memref<1x1xf32, #tpu.memory_space<vmem>>, vector<1x1xf32>
    %add3A_56 = vector.broadcast %get3A_55 : vector<1x1xf32> to vector<1x252xf32>
    %add3A_57 = arith.addf %dot_general3A_52, %add3A_56 : vector<1x252xf32>
    %logistic3A_58 = arith.negf %add3A_57 : vector<1x252xf32>
    %logistic3A_59 = math.exp %logistic3A_58 : vector<1x252xf32>
    %logistic3A_60 = arith.constant 1.000000e+00 : f32
    %logistic3A_61 = vector.broadcast %logistic3A_60 : f32 to vector<1x252xf32>
    %logistic3A_62 = arith.addf %logistic3A_61, %logistic3A_59 : vector<1x252xf32>
    %logistic3A_63 = arith.divf %logistic3A_61, %logistic3A_62 : vector<1x252xf32>
    %swap3A_64 = arith.constant 0 : index
    %swap3A_65 = arith.constant 1 : index
    %swap3A_66 = arith.constant 0 : index
    %swap3A_67 = vector.load %arg7[%swap3A_64, %swap3A_65, %swap3A_66] : memref<1x8x252xf32, #tpu.memory_space<vmem>>, vector<1x1x252xf32>
    %swap3A_68 = vector.shape_cast %swap3A_67 : vector<1x1x252xf32> to vector<1x252xf32>
    %swap3A_69 = vector.shape_cast %logistic3A_63 : vector<1x252xf32> to vector<1x1x252xf32>
    tpu.vector_store %arg7[%swap3A_64, %swap3A_65, %swap3A_66], %swap3A_69 {strides = array<i32>} : memref<1x8x252xf32, #tpu.memory_space<vmem>>, vector<1x1x252xf32>,
    %get3A_70 = arith.constant 0 : index
    %get3A_71 = arith.constant 0 : index
    %get3A_72 = arith.constant 2 : index
    %get3A_73 = arith.constant 0 : index
    %get3A_74 = vector.load %arg2[%get3A_70, %get3A_71, %get3A_72, %get3A_73] : memref<1x256x8x252xf32, #tpu.memory_space<vmem>>, vector<1x256x1x252xf32>
    %get3A_75 = vector.shape_cast %get3A_74 : vector<1x256x1x252xf32> to vector<256x252xf32>
    %dot_general3A_76 = arith.constant dense<0.000000e+00> : vector<256x252xf32>
    %dot_general3A_77 = tpu.matmul %get3A_1, %get3A_75, %dot_general3A_76 {dimension_numbers = #tpu.dot_dimension_numbers<[0], [0], [1], [1], [0, 1, 1, 1], [], []>, transpose_lhs_hint = false} : vector<256x256xf32>, vector<256x252xf32>, vector<256x252xf32> -> vector<256x252xf32>
    %get3A_78 = arith.constant 0 : index
    %get3A_79 = arith.constant 0 : index
    %get3A_80 = vector.load %arg4[%get3A_78, %get3A_79] : memref<256x1xf32, #tpu.memory_space<vmem>>, vector<256x1xf32>
    %add3A_81 = vector.broadcast %get3A_80 : vector<256x1xf32> to vector<256x252xf32>
    %add3A_82 = arith.addf %dot_general3A_77, %add3A_81 : vector<256x252xf32>
    %max3A_83 = arith.constant 0.000000e+00 : f32
    %max3A_84 = vector.broadcast %max3A_83 : f32 to vector<256x252xf32>
    %max3A_85 = arith.maximumf %add3A_82, %max3A_84 : vector<256x252xf32>
    %dot_general3A_86 = arith.constant dense<0.000000e+00> : vector<1x252xf32>
    %dot_general3A_87 = tpu.matmul %get3A_4, %max3A_85, %dot_general3A_86 {dimension_numbers = #tpu.dot_dimension_numbers<[0], [0], [1], [1], [0, 1, 1, 1], [], []>, transpose_lhs_hint = false} : vector<256x1xf32>, vector<256x252xf32>, vector<1x252xf32> -> vector<1x252xf32>
    %get3A_88 = arith.constant 0 : index
    %get3A_89 = arith.constant 0 : index
    %get3A_90 = vector.load %arg6[%get3A_88, %get3A_89] : memref<1x1xf32, #tpu.memory_space<vmem>>, vector<1x1xf32>
    %add3A_91 = vector.broadcast %get3A_90 : vector<1x1xf32> to vector<1x252xf32>
    %add3A_92 = arith.addf %dot_general3A_87, %add3A_91 : vector<1x252xf32>
    %logistic3A_93 = arith.negf %add3A_92 : vector<1x252xf32>
    %logistic3A_94 = math.exp %logistic3A_93 : vector<1x252xf32>
    %logistic3A_95 = arith.constant 1.000000e+00 : f32
    %logistic3A_96 = vector.broadcast %logistic3A_95 : f32 to vector<1x252xf32>
    %logistic3A_97 = arith.addf %logistic3A_96, %logistic3A_94 : vector<1x252xf32>
    %logistic3A_98 = arith.divf %logistic3A_96, %logistic3A_97 : vector<1x252xf32>
    %swap3A_99 = arith.constant 0 : index
    %swap3A_100 = arith.constant 2 : index
    %swap3A_101 = arith.constant 0 : index
    %swap3A_102 = vector.load %arg7[%swap3A_99, %swap3A_100, %swap3A_101] : memref<1x8x252xf32, #tpu.memory_space<vmem>>, vector<1x1x252xf32>
    %swap3A_103 = vector.shape_cast %swap3A_102 : vector<1x1x252xf32> to vector<1x252xf32>
    %swap3A_104 = vector.shape_cast %logistic3A_98 : vector<1x252xf32> to vector<1x1x252xf32>
    tpu.vector_store %arg7[%swap3A_99, %swap3A_100, %swap3A_101], %swap3A_104 {strides = array<i32>} : memref<1x8x252xf32, #tpu.memory_space<vmem>>, vector<1x1x252xf32>,
    %get3A_105 = arith.constant 0 : index
    %get3A_106 = arith.constant 0 : index
    %get3A_107 = arith.constant 3 : index
    %get3A_108 = arith.constant 0 : index
    %get3A_109 = vector.load %arg2[%get3A_105, %get3A_106, %get3A_107, %get3A_108] : memref<1x256x8x252xf32, #tpu.memory_space<vmem>>, vector<1x256x1x252xf32>
    %get3A_110 = vector.shape_cast %get3A_109 : vector<1x256x1x252xf32> to vector<256x252xf32>
    %dot_general3A_111 = arith.constant dense<0.000000e+00> : vector<256x252xf32>
    %dot_general3A_112 = tpu.matmul %get3A_1, %get3A_110, %dot_general3A_111 {dimension_numbers = #tpu.dot_dimension_numbers<[0], [0], [1], [1], [0, 1, 1, 1], [], []>, transpose_lhs_hint = false} : vector<256x256xf32>, vector<256x252xf32>, vector<256x252xf32> -> vector<256x252xf32>
    %get3A_113 = arith.constant 0 : index
    %get3A_114 = arith.constant 0 : index
    %get3A_115 = vector.load %arg4[%get3A_113, %get3A_114] : memref<256x1xf32, #tpu.memory_space<vmem>>, vector<256x1xf32>
    %add3A_116 = vector.broadcast %get3A_115 : vector<256x1xf32> to vector<256x252xf32>
    %add3A_117 = arith.addf %dot_general3A_112, %add3A_116 : vector<256x252xf32>
    %max3A_118 = arith.constant 0.000000e+00 : f32
    %max3A_119 = vector.broadcast %max3A_118 : f32 to vector<256x252xf32>
    %max3A_120 = arith.maximumf %add3A_117, %max3A_119 : vector<256x252xf32>
    %dot_general3A_121 = arith.constant dense<0.000000e+00> : vector<1x252xf32>
    %dot_general3A_122 = tpu.matmul %get3A_4, %max3A_120, %dot_general3A_121 {dimension_numbers = #tpu.dot_dimension_numbers<[0], [0], [1], [1], [0, 1, 1, 1], [], []>, transpose_lhs_hint = false} : vector<256x1xf32>, vector<256x252xf32>, vector<1x252xf32> -> vector<1x252xf32>
    %get3A_123 = arith.constant 0 : index
    %get3A_124 = arith.constant 0 : index
    %get3A_125 = vector.load %arg6[%get3A_123, %get3A_124] : memref<1x1xf32, #tpu.memory_space<vmem>>, vector<1x1xf32>
    %add3A_126 = vector.broadcast %get3A_125 : vector<1x1xf32> to vector<1x252xf32>
    %add3A_127 = arith.addf %dot_general3A_122, %add3A_126 : vector<1x252xf32>
    %logistic3A_128 = arith.negf %add3A_127 : vector<1x252xf32>
    %logistic3A_129 = math.exp %logistic3A_128 : vector<1x252xf32>
    %logistic3A_130 = arith.constant 1.000000e+00 : f32
    %logistic3A_131 = vector.broadcast %logistic3A_130 : f32 to vector<1x252xf32>
    %logistic3A_132 = arith.addf %logistic3A_131, %logistic3A_129 : vector<1x252xf32>
    %logistic3A_133 = arith.divf %logistic3A_131, %logistic3A_132 : vector<1x252xf32>
    %swap3A_134 = arith.constant 0 : index
    %swap3A_135 = arith.constant 3 : index
    %swap3A_136 = arith.constant 0 : index
    %swap3A_137 = vector.load %arg7[%swap3A_134, %swap3A_135, %swap3A_136] : memref<1x8x252xf32, #tpu.memory_space<vmem>>, vector<1x1x252xf32>
    %swap3A_138 = vector.shape_cast %swap3A_137 : vector<1x1x252xf32> to vector<1x252xf32>
    %swap3A_139 = vector.shape_cast %logistic3A_133 : vector<1x252xf32> to vector<1x1x252xf32>
    tpu.vector_store %arg7[%swap3A_134, %swap3A_135, %swap3A_136], %swap3A_139 {strides = array<i32>} : memref<1x8x252xf32, #tpu.memory_space<vmem>>, vector<1x1x252xf32>,
    %get3A_140 = arith.constant 0 : index
    %get3A_141 = arith.constant 0 : index
    %get3A_142 = arith.constant 4 : index
    %get3A_143 = arith.constant 0 : index
    %get3A_144 = vector.load %arg2[%get3A_140, %get3A_141, %get3A_142, %get3A_143] : memref<1x256x8x252xf32, #tpu.memory_space<vmem>>, vector<1x256x1x252xf32>
    %get3A_145 = vector.shape_cast %get3A_144 : vector<1x256x1x252xf32> to vector<256x252xf32>
    %dot_general3A_146 = arith.constant dense<0.000000e+00> : vector<256x252xf32>
    %dot_general3A_147 = tpu.matmul %get3A_1, %get3A_145, %dot_general3A_146 {dimension_numbers = #tpu.dot_dimension_numbers<[0], [0], [1], [1], [0, 1, 1, 1], [], []>, transpose_lhs_hint = false} : vector<256x256xf32>, vector<256x252xf32>, vector<256x252xf32> -> vector<256x252xf32>
    %get3A_148 = arith.constant 0 : index
    %get3A_149 = arith.constant 0 : index
    %get3A_150 = vector.load %arg4[%get3A_148, %get3A_149] : memref<256x1xf32, #tpu.memory_space<vmem>>, vector<256x1xf32>
    %add3A_151 = vector.broadcast %get3A_150 : vector<256x1xf32> to vector<256x252xf32>
    %add3A_152 = arith.addf %dot_general3A_147, %add3A_151 : vector<256x252xf32>
    %max3A_153 = arith.constant 0.000000e+00 : f32
    %max3A_154 = vector.broadcast %max3A_153 : f32 to vector<256x252xf32>
    %max3A_155 = arith.maximumf %add3A_152, %max3A_154 : vector<256x252xf32>
    %dot_general3A_156 = arith.constant dense<0.000000e+00> : vector<1x252xf32>
    %dot_general3A_157 = tpu.matmul %get3A_4, %max3A_155, %dot_general3A_156 {dimension_numbers = #tpu.dot_dimension_numbers<[0], [0], [1], [1], [0, 1, 1, 1], [], []>, transpose_lhs_hint = false} : vector<256x1xf32>, vector<256x252xf32>, vector<1x252xf32> -> vector<1x252xf32>
    %get3A_158 = arith.constant 0 : index
    %get3A_159 = arith.constant 0 : index
    %get3A_160 = vector.load %arg6[%get3A_158, %get3A_159] : memref<1x1xf32, #tpu.memory_space<vmem>>, vector<1x1xf32>
    %add3A_161 = vector.broadcast %get3A_160 : vector<1x1xf32> to vector<1x252xf32>
    %add3A_162 = arith.addf %dot_general3A_157, %add3A_161 : vector<1x252xf32>
    %logistic3A_163 = arith.negf %add3A_162 : vector<1x252xf32>
    %logistic3A_164 = math.exp %logistic3A_163 : vector<1x252xf32>
    %logistic3A_165 = arith.constant 1.000000e+00 : f32
    %logistic3A_166 = vector.broadcast %logistic3A_165 : f32 to vector<1x252xf32>
    %logistic3A_167 = arith.addf %logistic3A_166, %logistic3A_164 : vector<1x252xf32>
    %logistic3A_168 = arith.divf %logistic3A_166, %logistic3A_167 : vector<1x252xf32>
    %swap3A_169 = arith.constant 0 : index
    %swap3A_170 = arith.constant 4 : index
    %swap3A_171 = arith.constant 0 : index
    %swap3A_172 = vector.load %arg7[%swap3A_169, %swap3A_170, %swap3A_171] : memref<1x8x252xf32, #tpu.memory_space<vmem>>, vector<1x1x252xf32>
    %swap3A_173 = vector.shape_cast %swap3A_172 : vector<1x1x252xf32> to vector<1x252xf32>
    %swap3A_174 = vector.shape_cast %logistic3A_168 : vector<1x252xf32> to vector<1x1x252xf32>
    tpu.vector_store %arg7[%swap3A_169, %swap3A_170, %swap3A_171], %swap3A_174 {strides = array<i32>} : memref<1x8x252xf32, #tpu.memory_space<vmem>>, vector<1x1x252xf32>,
    %get3A_175 = arith.constant 0 : index
    %get3A_176 = arith.constant 0 : index
    %get3A_177 = arith.constant 5 : index
    %get3A_178 = arith.constant 0 : index
    %get3A_179 = vector.load %arg2[%get3A_175, %get3A_176, %get3A_177, %get3A_178] : memref<1x256x8x252xf32, #tpu.memory_space<vmem>>, vector<1x256x1x252xf32>
    %get3A_180 = vector.shape_cast %get3A_179 : vector<1x256x1x252xf32> to vector<256x252xf32>
    %dot_general3A_181 = arith.constant dense<0.000000e+00> : vector<256x252xf32>
    %dot_general3A_182 = tpu.matmul %get3A_1, %get3A_180, %dot_general3A_181 {dimension_numbers = #tpu.dot_dimension_numbers<[0], [0], [1], [1], [0, 1, 1, 1], [], []>, transpose_lhs_hint = false} : vector<256x256xf32>, vector<256x252xf32>, vector<256x252xf32> -> vector<256x252xf32>
    %get3A_183 = arith.constant 0 : index
    %get3A_184 = arith.constant 0 : index
    %get3A_185 = vector.load %arg4[%get3A_183, %get3A_184] : memref<256x1xf32, #tpu.memory_space<vmem>>, vector<256x1xf32>
    %add3A_186 = vector.broadcast %get3A_185 : vector<256x1xf32> to vector<256x252xf32>
    %add3A_187 = arith.addf %dot_general3A_182, %add3A_186 : vector<256x252xf32>
    %max3A_188 = arith.constant 0.000000e+00 : f32
    %max3A_189 = vector.broadcast %max3A_188 : f32 to vector<256x252xf32>
    %max3A_190 = arith.maximumf %add3A_187, %max3A_189 : vector<256x252xf32>
    %dot_general3A_191 = arith.constant dense<0.000000e+00> : vector<1x252xf32>
    %dot_general3A_192 = tpu.matmul %get3A_4, %max3A_190, %dot_general3A_191 {dimension_numbers = #tpu.dot_dimension_numbers<[0], [0], [1], [1], [0, 1, 1, 1], [], []>, transpose_lhs_hint = false} : vector<256x1xf32>, vector<256x252xf32>, vector<1x252xf32> -> vector<1x252xf32>
    %get3A_193 = arith.constant 0 : index
    %get3A_194 = arith.constant 0 : index
    %get3A_195 = vector.load %arg6[%get3A_193, %get3A_194] : memref<1x1xf32, #tpu.memory_space<vmem>>, vector<1x1xf32>
    %add3A_196 = vector.broadcast %get3A_195 : vector<1x1xf32> to vector<1x252xf32>
    %add3A_197 = arith.addf %dot_general3A_192, %add3A_196 : vector<1x252xf32>
    %logistic3A_198 = arith.negf %add3A_197 : vector<1x252xf32>
    %logistic3A_199 = math.exp %logistic3A_198 : vector<1x252xf32>
    %logistic3A_200 = arith.constant 1.000000e+00 : f32
    %logistic3A_201 = vector.broadcast %logistic3A_200 : f32 to vector<1x252xf32>
    %logistic3A_202 = arith.addf %logistic3A_201, %logistic3A_199 : vector<1x252xf32>
    %logistic3A_203 = arith.divf %logistic3A_201, %logistic3A_202 : vector<1x252xf32>
    %swap3A_204 = arith.constant 0 : index
    %swap3A_205 = arith.constant 5 : index
    %swap3A_206 = arith.constant 0 : index
    %swap3A_207 = vector.load %arg7[%swap3A_204, %swap3A_205, %swap3A_206] : memref<1x8x252xf32, #tpu.memory_space<vmem>>, vector<1x1x252xf32>
    %swap3A_208 = vector.shape_cast %swap3A_207 : vector<1x1x252xf32> to vector<1x252xf32>
    %swap3A_209 = vector.shape_cast %logistic3A_203 : vector<1x252xf32> to vector<1x1x252xf32>
    tpu.vector_store %arg7[%swap3A_204, %swap3A_205, %swap3A_206], %swap3A_209 {strides = array<i32>} : memref<1x8x252xf32, #tpu.memory_space<vmem>>, vector<1x1x252xf32>,
    %get3A_210 = arith.constant 0 : index
    %get3A_211 = arith.constant 0 : index
    %get3A_212 = arith.constant 6 : index
    %get3A_213 = arith.constant 0 : index
    %get3A_214 = vector.load %arg2[%get3A_210, %get3A_211, %get3A_212, %get3A_213] : memref<1x256x8x252xf32, #tpu.memory_space<vmem>>, vector<1x256x1x252xf32>
    %get3A_215 = vector.shape_cast %get3A_214 : vector<1x256x1x252xf32> to vector<256x252xf32>
    %dot_general3A_216 = arith.constant dense<0.000000e+00> : vector<256x252xf32>
    %dot_general3A_217 = tpu.matmul %get3A_1, %get3A_215, %dot_general3A_216 {dimension_numbers = #tpu.dot_dimension_numbers<[0], [0], [1], [1], [0, 1, 1, 1], [], []>, transpose_lhs_hint = false} : vector<256x256xf32>, vector<256x252xf32>, vector<256x252xf32> -> vector<256x252xf32>
    %get3A_218 = arith.constant 0 : index
    %get3A_219 = arith.constant 0 : index
    %get3A_220 = vector.load %arg4[%get3A_218, %get3A_219] : memref<256x1xf32, #tpu.memory_space<vmem>>, vector<256x1xf32>
    %add3A_221 = vector.broadcast %get3A_220 : vector<256x1xf32> to vector<256x252xf32>
    %add3A_222 = arith.addf %dot_general3A_217, %add3A_221 : vector<256x252xf32>
    %max3A_223 = arith.constant 0.000000e+00 : f32
    %max3A_224 = vector.broadcast %max3A_223 : f32 to vector<256x252xf32>
    %max3A_225 = arith.maximumf %add3A_222, %max3A_224 : vector<256x252xf32>
    %dot_general3A_226 = arith.constant dense<0.000000e+00> : vector<1x252xf32>
    %dot_general3A_227 = tpu.matmul %get3A_4, %max3A_225, %dot_general3A_226 {dimension_numbers = #tpu.dot_dimension_numbers<[0], [0], [1], [1], [0, 1, 1, 1], [], []>, transpose_lhs_hint = false} : vector<256x1xf32>, vector<256x252xf32>, vector<1x252xf32> -> vector<1x252xf32>
    %get3A_228 = arith.constant 0 : index
    %get3A_229 = arith.constant 0 : index
    %get3A_230 = vector.load %arg6[%get3A_228, %get3A_229] : memref<1x1xf32, #tpu.memory_space<vmem>>, vector<1x1xf32>
    %add3A_231 = vector.broadcast %get3A_230 : vector<1x1xf32> to vector<1x252xf32>
    %add3A_232 = arith.addf %dot_general3A_227, %add3A_231 : vector<1x252xf32>
    %logistic3A_233 = arith.negf %add3A_232 : vector<1x252xf32>
    %logistic3A_234 = math.exp %logistic3A_233 : vector<1x252xf32>
    %logistic3A_235 = arith.constant 1.000000e+00 : f32
    %logistic3A_236 = vector.broadcast %logistic3A_235 : f32 to vector<1x252xf32>
    %logistic3A_237 = arith.addf %logistic3A_236, %logistic3A_234 : vector<1x252xf32>
    %logistic3A_238 = arith.divf %logistic3A_236, %logistic3A_237 : vector<1x252xf32>
    %swap3A_239 = arith.constant 0 : index
    %swap3A_240 = arith.constant 6 : index
    %swap3A_241 = arith.constant 0 : index
    %swap3A_242 = vector.load %arg7[%swap3A_239, %swap3A_240, %swap3A_241] : memref<1x8x252xf32, #tpu.memory_space<vmem>>, vector<1x1x252xf32>
    %swap3A_243 = vector.shape_cast %swap3A_242 : vector<1x1x252xf32> to vector<1x252xf32>
    %swap3A_244 = vector.shape_cast %logistic3A_238 : vector<1x252xf32> to vector<1x1x252xf32>
    tpu.vector_store %arg7[%swap3A_239, %swap3A_240, %swap3A_241], %swap3A_244 {strides = array<i32>} : memref<1x8x252xf32, #tpu.memory_space<vmem>>, vector<1x1x252xf32>,
    %get3A_245 = arith.constant 0 : index
    %get3A_246 = arith.constant 0 : index
    %get3A_247 = arith.constant 7 : index
    %get3A_248 = arith.constant 0 : index
    %get3A_249 = vector.load %arg2[%get3A_245, %get3A_246, %get3A_247, %get3A_248] : memref<1x256x8x252xf32, #tpu.memory_space<vmem>>, vector<1x256x1x252xf32>
    %get3A_250 = vector.shape_cast %get3A_249 : vector<1x256x1x252xf32> to vector<256x252xf32>
    %dot_general3A_251 = arith.constant dense<0.000000e+00> : vector<256x252xf32>
    %dot_general3A_252 = tpu.matmul %get3A_1, %get3A_250, %dot_general3A_251 {dimension_numbers = #tpu.dot_dimension_numbers<[0], [0], [1], [1], [0, 1, 1, 1], [], []>, transpose_lhs_hint = false} : vector<256x256xf32>, vector<256x252xf32>, vector<256x252xf32> -> vector<256x252xf32>
    %get3A_253 = arith.constant 0 : index
    %get3A_254 = arith.constant 0 : index
    %get3A_255 = vector.load %arg4[%get3A_253, %get3A_254] : memref<256x1xf32, #tpu.memory_space<vmem>>, vector<256x1xf32>
    %add3A_256 = vector.broadcast %get3A_255 : vector<256x1xf32> to vector<256x252xf32>
    %add3A_257 = arith.addf %dot_general3A_252, %add3A_256 : vector<256x252xf32>
    %max3A_258 = arith.constant 0.000000e+00 : f32
    %max3A_259 = vector.broadcast %max3A_258 : f32 to vector<256x252xf32>
    %max3A_260 = arith.maximumf %add3A_257, %max3A_259 : vector<256x252xf32>
    %dot_general3A_261 = arith.constant dense<0.000000e+00> : vector<1x252xf32>
    %dot_general3A_262 = tpu.matmul %get3A_4, %max3A_260, %dot_general3A_261 {dimension_numbers = #tpu.dot_dimension_numbers<[0], [0], [1], [1], [0, 1, 1, 1], [], []>, transpose_lhs_hint = false} : vector<256x1xf32>, vector<256x252xf32>, vector<1x252xf32> -> vector<1x252xf32>
    %get3A_263 = arith.constant 0 : index
    %get3A_264 = arith.constant 0 : index
    %get3A_265 = vector.load %arg6[%get3A_263, %get3A_264] : memref<1x1xf32, #tpu.memory_space<vmem>>, vector<1x1xf32>
    %add3A_266 = vector.broadcast %get3A_265 : vector<1x1xf32> to vector<1x252xf32>
    %add3A_267 = arith.addf %dot_general3A_262, %add3A_266 : vector<1x252xf32>
    %logistic3A_268 = arith.negf %add3A_267 : vector<1x252xf32>
    %logistic3A_269 = math.exp %logistic3A_268 : vector<1x252xf32>
    %logistic3A_270 = arith.constant 1.000000e+00 : f32
    %logistic3A_271 = vector.broadcast %logistic3A_270 : f32 to vector<1x252xf32>
    %logistic3A_272 = arith.addf %logistic3A_271, %logistic3A_269 : vector<1x252xf32>
    %logistic3A_273 = arith.divf %logistic3A_271, %logistic3A_272 : vector<1x252xf32>
    %swap3A_274 = arith.constant 0 : index
    %swap3A_275 = arith.constant 7 : index
    %swap3A_276 = arith.constant 0 : index
    %swap3A_277 = vector.load %arg7[%swap3A_274, %swap3A_275, %swap3A_276] : memref<1x8x252xf32, #tpu.memory_space<vmem>>, vector<1x1x252xf32>
    %swap3A_278 = vector.shape_cast %swap3A_277 : vector<1x1x252xf32> to vector<1x252xf32>
    %swap3A_279 = vector.shape_cast %logistic3A_273 : vector<1x252xf32> to vector<1x1x252xf32>
    tpu.vector_store %arg7[%swap3A_274, %swap3A_275, %swap3A_276], %swap3A_279 {strides = array<i32>} : memref<1x8x252xf32, #tpu.memory_space<vmem>>, vector<1x1x252xf32>,
    return
  }
  func.func @transform_0(%arg0: i32, %arg1: i32) -> (i32, i32, i32, i32) {
    %c0_i32 = arith.constant 0 : i32
    %c0_i32_0 = arith.constant 0 : i32
    %c0_i32_1 = arith.constant 0 : i32
    return %arg0, %c0_i32, %arg1, %c0_i32_0 : i32, i32, i32, i32
  }
  func.func @transform_1(%arg0: i32, %arg1: i32) -> (i32, i32) {
    %c0_i32 = arith.constant 0 : i32
    %c0_i32_0 = arith.constant 0 : i32
    %c0_i32_1 = arith.constant 0 : i32
    return %c0_i32, %c0_i32_0 : i32, i32
  }
  func.func @transform_2(%arg0: i32, %arg1: i32) -> (i32, i32) {
    %c0_i32 = arith.constant 0 : i32
    %c0_i32_0 = arith.constant 0 : i32
    %c0_i32_1 = arith.constant 0 : i32
    return %c0_i32, %c0_i32_0 : i32, i32
  }
  func.func @transform_3(%arg0: i32, %arg1: i32) -> (i32, i32) {
    %c0_i32 = arith.constant 0 : i32
    %c0_i32_0 = arith.constant 0 : i32
    %c0_i32_1 = arith.constant 0 : i32
    return %c0_i32, %c0_i32_0 : i32, i32
  }
  func.func @transform_4(%arg0: i32, %arg1: i32) -> (i32, i32) {
    %c0_i32 = arith.constant 0 : i32
    %c0_i32_0 = arith.constant 0 : i32
    %c0_i32_1 = arith.constant 0 : i32
    return %c0_i32, %c0_i32_0 : i32, i32
  }
  func.func @transform_5(%arg0: i32, %arg1: i32) -> (i32, i32, i32) {
    %c0_i32 = arith.constant 0 : i32
    %c0_i32_0 = arith.constant 0 : i32
    return %arg0, %arg1, %c0_i32 : i32, i32, i32
  }
}

module attributes {stable_mosaic.version = 14 : i64} {
  func.func @_mask_body(%arg0: i32, %arg1: i32, %arg2: memref<1x32x100x252xf32, #tpu.memory_space<vmem>>, %arg3: memref<1x100x252xf32, #tpu.memory_space<vmem>>, %arg4: memref<1x32x100x252xf32, #tpu.memory_space<vmem>>) attributes {dimension_semantics = [#tpu.dimension_semantics<arbitrary>, #tpu.dimension_semantics<arbitrary>], iteration_bounds = array<i64: 8, 8>, scalar_prefetch = 0 : i64, scratch_operands = 0 : i64, tpu.core_type = #tpu.core_type<tc>, window_params = [{transform_indices = @transform_0, window_bounds = array<i64: 1, 32, 100, 252>}, {transform_indices = @transform_1, window_bounds = array<i64: 1, 100, 252>}, {transform_indices = @transform_2, window_bounds = array<i64: 1, 32, 100, 252>}]} {
    %get3A = arith.constant 0 : index
    %get3A_0 = arith.constant 0 : index
    %get3A_1 = arith.constant 0 : index
    %get3A_2 = arith.constant 0 : index
    %get3A_3 = vector.load %arg2[%get3A, %get3A_0, %get3A_1, %get3A_2] : memref<1x32x100x252xf32, #tpu.memory_space<vmem>>, vector<1x32x100x252xf32>
    %get3A_4 = vector.shape_cast %get3A_3 : vector<1x32x100x252xf32> to vector<32x100x252xf32>
    %get3A_5 = arith.constant 0 : index
    %get3A_6 = arith.constant 0 : index
    %get3A_7 = arith.constant 0 : index
    %get3A_8 = vector.load %arg3[%get3A_5, %get3A_6, %get3A_7] : memref<1x100x252xf32, #tpu.memory_space<vmem>>, vector<1x100x252xf32>
    %mul3A = vector.broadcast %get3A_8 : vector<1x100x252xf32> to vector<32x100x252xf32>
    %mul3A_9 = arith.mulf %get3A_4, %mul3A : vector<32x100x252xf32>
    %swap3A = arith.constant 0 : index
    %swap3A_10 = arith.constant 0 : index
    %swap3A_11 = arith.constant 0 : index
    %swap3A_12 = arith.constant 0 : index
    %swap3A_13 = vector.load %arg4[%swap3A, %swap3A_10, %swap3A_11, %swap3A_12] : memref<1x32x100x252xf32, #tpu.memory_space<vmem>>, vector<1x32x100x252xf32>
    %swap3A_14 = vector.shape_cast %swap3A_13 : vector<1x32x100x252xf32> to vector<32x100x252xf32>
    %swap3A_15 = vector.shape_cast %mul3A_9 : vector<32x100x252xf32> to vector<1x32x100x252xf32>
    tpu.vector_store %arg4[%swap3A, %swap3A_10, %swap3A_11, %swap3A_12], %swap3A_15 {strides = array<i32>} : memref<1x32x100x252xf32, #tpu.memory_space<vmem>>, vector<1x32x100x252xf32>,
    return
  }
  func.func @transform_0(%arg0: i32, %arg1: i32) -> (i32, i32, i32, i32) {
    %c0_i32 = arith.constant 0 : i32
    %c0_i32_0 = arith.constant 0 : i32
    %c0_i32_1 = arith.constant 0 : i32
    return %arg0, %arg1, %c0_i32, %c0_i32_0 : i32, i32, i32, i32
  }
  func.func @transform_1(%arg0: i32, %arg1: i32) -> (i32, i32, i32) {
    %c0_i32 = arith.constant 0 : i32
    %c0_i32_0 = arith.constant 0 : i32
    %c0_i32_1 = arith.constant 0 : i32
    return %arg0, %c0_i32, %c0_i32_0 : i32, i32, i32
  }
  func.func @transform_2(%arg0: i32, %arg1: i32) -> (i32, i32, i32, i32) {
    %c0_i32 = arith.constant 0 : i32
    %c0_i32_0 = arith.constant 0 : i32
    %c0_i32_1 = arith.constant 0 : i32
    return %arg0, %arg1, %c0_i32, %c0_i32_0 : i32, i32, i32, i32
  }
}

</mosaic_0001>

<sc_bundles>
// kernel: kernel.5.cloned.1.call-start
scs
__scs_entry_jumppad:
0x0: {  	(pc) =	sbr.rel $0x88, $3  }
0x1: {  	(tag) =	ssettag $0x0;
	lr =	simm.s32 $0x1  }
0x2: {  	[smem:$0x3F9C] =	sst lr;
	_ =	strace $0xD0000000  }
0x3: {  	_ = 	snop  }
0x4: {  	_ = 	snop  }
0x5: {  	_ = 	snop  }
0x6: {  	_ = 	snop  }
0x7: {  	_ = 	snop  }
__scs_overlays_trampoline_lowered:
0x8: {  	[smem:$0x3FAB] =	sst s0  }
0x9: {  	[smem:$0x3FAC] =	sst s1  }
0xa: {  	[smem:$0x3FAD] =	sst s2  }
0xb: {  	[smem:$0x3FAE] =	sst s3  }
0xc: {  	[smem:$0x3FAF] =	sst s4  }
0xd: {  	[smem:$0x3FB0] =	sst s5  }
0xe: {  	[smem:$0x3FB1] =	sst s6  }
0xf: {  	[smem:$0x3FB2] =	sst s7  }
0x10: {  	[smem:$0x3FB3] =	sst s8  }
0x11: {  	[smem:$0x3FB4] =	sst s9;
	s0 =	simm.s32 @!p0 $0x0  }
0x12: {  	s1 =	sld [smem:$0x3F9A];
	s0 =	simm.s32 @p0 $0x1  }
0x13: {  	[smem:$0x3FB5] =	sst s0;
	s0 =	simm.s32 @!p1 $0x0  }
0x14: {  	s2 =	sld [smem:$0x3F99];
	s0 =	simm.s32 @p1 $0x1  }
0x15: {  	[smem:$0x3FB6] =	sst s0;
	s0 =	simm.s32 @!p2 $0x0  }
0x16: {  	s3 =	sld [smem:$0x3FDB];
	s0 =	simm.s32 @p2 $0x1  }
0x17: {  	s4 =	simm.s32 $0x1BF5;
	[smem:$0x3FB8] =	sst s0  }
0x18: {  	s0 =	sld [smem:$0x3F9B];
	_ =	swait.ge [sflag:s4], $0x0  }
0x19: {  	s7 =	sld [smem:$0x3F9C]  }
0x1a: {  	s8 =	sadd.s32 $0xFFFFE003, lr  }
0x1b: {  	s9 =	sadd.s32 $0xFFFFFEF7, lr;
	s5 =	simm.s32 $0xFFFFFFFF;
	p2 =	slt.u32 s8, $0xFFFFF086  }
0x1c: {  	p1 =	slt.u32 s9, $0xF7A;
	s5 =	simm.s32 @!p2 $0x0  }
0x1d: {  	s5 =	simm.s32 @p1 $0x1;
	p0 =	seq.s32 s7, s2  }
0x1e: {  	s7 =	smul.u32 @!p0 $0xF7A, s2;
	p2 =	seq.s32 @!p0 s5, $0x0  }
0x1f: {  	s9 =	smul.u32 $0xF7A, s1;
	s8 =	simm.s32 @!p0 $0x1BF5;
	p2 =	por !p2, p0  }
0x20: {  	[sflag:s8] =	ssyncset.s32 @!p0 $0xFFFFF086;
	s6 =	sadd.s32 @!p0 s3, s7;
	s7 =	simm.s32 @!p0 $0x108  }
0x21: {  	s3 =	sadd.s32 s3, s9;
	s6 =	sadd.s32 @!p0 $0x88, s6;
	s7 =	simm.s32 @p2 $0x1082  }
0x22: {  	[simem:s7], [sflag:s8] =	dma.local @!p0 [hbm:s6], $0xF7A  }
0x23: {  	s9 =	sor.u32 $0xD0000000, s2;
	s6 =	simm.s32 $0x108;
	_ =	swait.ge @!p0 [sflag:s8], $0x0  }
0x24: {  	s3 =	sadd.s32 $0x88, s3;
	s6 =	simm.s32 @!p1 $0x1082;
	[sflag:s4] =	ssyncset.s32 $0xFFFFF086  }
0x25: {  	[simem:s6], [sflag:s4] =	dma.local [hbm:s3], $0xF7A  }
0x26: {  	[smem:$0x3F9C] =	sst s1;
	(tag) =	ssettag s2;
	_ =	strace s9  }
0x27: {  	s1 =	sld [smem:$0x3FAC]  }
0x28: {  	s2 =	sld [smem:$0x3FAD]  }
0x29: {  	s4 =	sld [smem:$0x3FAF]  }
0x2a: {  	p0 =	seq.s32 s5, $0x0;
	s5 =	sld [smem:$0x3FB0]  }
0x2b: {  	s6 =	sld [smem:$0x3FB1]  }
0x2c: {  	s7 =	sld [smem:$0x3FB2]  }
0x2d: {  	s3 =	simm.s32 $0x108;
	s8 =	sld [smem:$0x3FB3]  }
0x2e: {  	s3 =	simm.s32 @!p0 $0x1082;
	s9 =	sld [smem:$0x3FB4]  }
0x2f: {  	lr =	sadd.s32 s0, s3;
	s0 =	sld [smem:$0x3FAB]  }
0x30: {  	s3 =	sld [smem:$0x3FAE]  }
0x31: {  	[smem:$0x3FB7] =	sst s10  }
0x32: {  	s10 =	sld [smem:$0x3FB5];
	_ =	sdelay $0x3  }
0x33: {  	p0 =	seq.s32 s10, $0x1;
	s10 =	sld [smem:$0x3FB7];
	_ =	sdelay $0x3  }
0x34: {  	[smem:$0x3FB7] =	sst s10  }
0x35: {  	s10 =	sld [smem:$0x3FB6];
	_ =	sdelay $0x3  }
0x36: {  	p1 =	seq.s32 s10, $0x1;
	s10 =	sld [smem:$0x3FB7];
	_ =	sdelay $0x3  }
0x37: {  	[smem:$0x3FB7] =	sst s10  }
0x38: {  	s10 =	sld [smem:$0x3FB8]  }
0x39: {  	_ = 	snop;
	(pc) =	sbr.ind lr, $3  }
0x3a: {  	_ = 	snop  }
0x3b: {  	_ = 	snop  }
0x3c: {  	p2 =	seq.s32 s10, $0x1;
	s10 =	sld [smem:$0x3FB7]  }
0x3d: {  	_ =	shalt  }
0x3e: {  	_ =	shalt  }
0x3f: {  	_ =	shalt  }
0x40: {  	_ =	shalt  }
0x41: {  	_ =	shalt  }
0x42: {  	_ =	shalt  }
0x43: {  	_ =	shalt  }
0x44: {  	_ =	shalt  }
0x45: {  	_ =	shalt  }
0x46: {  	_ =	shalt  }
0x47: {  	_ =	shalt  }
0x48: {  	_ =	shalt  }
0x49: {  	_ =	shalt  }
0x4a: {  	_ =	shalt  }
0x4b: {  	_ =	shalt  }
0x4c: {  	_ =	shalt  }
0x4d: {  	_ =	shalt  }
0x4e: {  	_ =	shalt  }
0x4f: {  	_ =	shalt  }
0x50: {  	_ =	shalt  }
0x51: {  	_ =	shalt  }
0x52: {  	_ =	shalt  }
0x53: {  	_ =	shalt  }
0x54: {  	_ =	shalt  }
0x55: {  	_ =	shalt  }
0x56: {  	_ =	shalt  }
0x57: {  	_ =	shalt  }
0x58: {  	_ =	shalt  }
0x59: {  	_ =	shalt  }
0x5a: {  	_ =	shalt  }
0x5b: {  	_ =	shalt  }
0x5c: {  	_ =	shalt  }
0x5d: {  	_ =	shalt  }
0x5e: {  	_ =	shalt  }
0x5f: {  	_ =	shalt  }
0x60: {  	_ =	shalt  }
0x61: {  	_ =	shalt  }
0x62: {  	_ =	shalt  }
0x63: {  	_ =	shalt  }
0x64: {  	_ =	shalt  }
0x65: {  	_ =	shalt  }
0x66: {  	_ =	shalt  }
0x67: {  	_ =	shalt  }
0x68: {  	_ =	shalt  }
0x69: {  	_ =	shalt  }
0x6a: {  	_ =	shalt  }
0x6b: {  	_ =	shalt  }
0x6c: {  	_ =	shalt  }
0x6d: {  	_ =	shalt  }
0x6e: {  	_ =	shalt  }
0x6f: {  	_ =	shalt  }
0x70: {  	_ =	shalt  }
0x71: {  	_ =	shalt  }
0x72: {  	_ =	shalt  }
0x73: {  	_ =	shalt  }
0x74: {  	_ =	shalt  }
0x75: {  	_ =	shalt  }
0x76: {  	_ =	shalt  }
0x77: {  	_ =	shalt  }
0x78: {  	_ =	shalt  }
0x79: {  	_ =	shalt  }
0x7a: {  	_ =	shalt  }
0x7b: {  	_ =	shalt  }
0x7c: {  	_ =	shalt  }
0x7d: {  	_ =	shalt  }
0x7e: {  	_ =	shalt  }
0x7f: {  	_ =	shalt  }
0x80: {  	_ =	shalt  }
0x81: {  	_ =	shalt  }
0x82: {  	_ =	shalt  }
0x83: {  	_ =	shalt  }
0x84: {  	_ =	shalt  }
0x85: {  	_ =	shalt  }
0x86: {  	_ =	shalt  }
0x87: {  	_ =	shalt  }
.Lfunc_end0:
.L_simem_size_0:
called_computation_lowered:
.L_overlay_start_0:
0x88: {  	s2 =	sld [smem:$0x3FD9]  }
0x89: {  	s3 =	sld [smem:$0x3FFE];
	_ =	sdelay $0x1  }
0x8a: {  	s1 =	srdreg.scid  }
0x8b: {  	s0 =	sand.u32 $0x1, s1  }
0x8c: {  	s14 =	sshll.u32 s0, $0xA;
	s2 =	sadd.s32 s3, s2  }
0x8d: {  	s2 =	sadd.s32 s2, s14  }
0x8e: {  	[smem:$0x3FC3] =	sst s2  }
0x8f: {  	_ = 	snop  }
0x90: {  	s2 =	sld [smem:$0x3FD0];
	_ =	sdelay $0x2  }
0x91: {  	s15 =	simm.s32 $0xA;
	s4 =	simm.s32 $0x10  }
0x92: {  	[smem:s4], [sflag:s15] =	dma.local [hbm:s2], $0x1  }
0x93: {  	_ =	swait.eq [sflag:s15], $0x1  }
0x94: {  	[sflag:s15] =	ssyncset.done $0x0  }
0x95: {  	s16 =	sld [smem:$0x10];
	[sflag:s15] =	ssyncadd.s32 $0xFFFFFFFF  }
0x96: {  	s17 =	sld [smem:$0x11];
	(tm) =	ssettm $0x1  }
0x97: {  	s18 =	sld [smem:$0x3FFB];
	_ =	sdelay $0x3  }
0x98: {  	_ =	strace s18  }
0x99: {  	s4 =	sld [smem:$0x3FFC];
	_ =	sdelay $0x3  }
0x9a: {  	_ =	strace s4  }
0x9b: {  	s4 =	sld [smem:$0x3FFD];
	_ =	sdelay $0x3  }
0x9c: {  	_ =	strace s4  }
0x9d: {  	_ =	strace $0x8FFFFFFF  }
0x9e: {  	s19 =	sld [smem:$0x3FDB];
	_ =	sdelay $0x1  }
0x9f: {  	s5 =	simm.s32 $_scs_section_size  }
0xa0: {  	s6 =	simm.s32 $_size__tile_overlayer_lowered;
	s7 =	simm.s32 $_tile_overlayer_lowered  }
0xa1: {  	s22 =	simm.s32 $0x1BFF;
	s21 =	sshll.u32 s7, $0x1;
	s4 =	sadd.s32 s5, s19  }
0xa2: {  	s8 =	simm.s32 $0x0;
	s20 =	sshll.u32 s6, $0x1;
	s6 =	sadd.s32 s21, s4  }
0xa3: {  	[timem:s8], [sflag:s22] =	dma.local [hbm:s6], s20  }
0xa4: {  	_ =	swait.ge [sflag:s22], s20  }
0xa5: {  	s5 =	ssub.s32 $0x0, s20;
	[sflag:s22] =	ssyncset.done $0x0  }
0xa6: {  	[sflag:s22] =	ssyncadd.s32 s5;
	_ =	sdelay $0x1  }
0xa7: {  	s23 =	simm.s32 $0x1B8B  }
0xa8: {  	_ =	swait.ge [sflag:s23], $0x1  }
0xa9: {  	[sflag:s23] =	ssyncset.done $0x0  }
0xaa: {  	s25 =	simm.s32 $0x1B8E;
	s24 =	sld [smem:$0x3FFE];
	[sflag:s23] =	ssyncadd.s32 $0xFFFFFFFF  }
0xab: {  	s26 =	simm.s32 $execute0_lowered;
	[smem:$0x3FD2] =	sst s25  }
0xac: {  	s6 =	sshll.u32 s26, $0x1;
	_ =	strace $0x80000046;
	[dreg:$0x1] =	wrdreg $0xFFFFFFFF  }
0xad: {  	s28 =	simm.s32 $_size_execute0_lowered;
	s4 =	sadd.s32 s4, s6;
	[dreg:$0x0] =	wrdreg $0x0  }
0xae: {  	s6 =	sshll.u32 s28, $0x1;
	[dreg:$0x2] =	wrdreg s4  }
0xaf: {  	[dreg:$0x3] =	wrdreg s6  }
0xb0: {  	[dreg:$0x4] =	wrdreg $0xC0  }
0xb1: {  	_ =	task [dreg:s8], $0x5FFFF  }
0xb2: {  	[dreg:$0x1] =	wrdreg $0xFFFFFFFF  }
0xb3: {  	[dreg:$0x0] =	wrdreg $0x60  }
0xb4: {  	[dreg:$0x2] =	wrdreg s16  }
0xb5: {  	[dreg:$0x3] =	wrdreg s17  }
0xb6: {  	[dreg:$0x4] =	wrdreg s24  }
0xb7: {  	[dreg:$0x5] =	wrdreg $0x9  }
0xb8: {  	_ =	task.clear_ibuf [dreg:s8], $0x6FFFF;
	_ =	strace $0x90000046  }
0xb9: {  	s29 =	simm.s32 $0x9;
	_ =	strace $0x80000048  }
0xba: {  	_ =	swait.ge [sflag:s29], $0x1  }
0xbb: {  	[sflag:s29] =	ssyncadd.s32 $0xFFFFFFFF  }
0xbc: {  	_ =	strace $0x90000048  }
0xbd: {  	_ =	sfence  }
0xbe: {  	s30 =	sld [smem:$0x0];
	_ =	sdelay $0x2  }
0xbf: {  	s31 =	sshll.u32 s1, $0xD;
	s1 =	sshrl.u32 s1, $0x2  }
0xc0: {  	s3 =	sand.u32 $0x4000, s31;
	s1 =	sadd.s32 s1, s30  }
0xc1: {  	s0 =	sor.u32 s3, s0;
	s1 =	sshll.u32 s1, $0x11  }
0xc2: {  	s0 =	sor.u32 s1, s0  }
0xc3: {  	s0 =	sadd.s32 $0x8F2B, s0  }
0xc4: {  	[sflag:s0] =	ssyncadd.remote.s32 $0x1  }
0xc5: {  	_ =	sfence.sel $0xFFFF  }
0xc6: {  	[dreg:$0x0] =	wrdreg $0xFFFFFFFF;
	(pc) =	sbr.abs _section_cstart, $3  }
0xc7: {  	[dreg:$0x1] =	wrdreg $0xFFFFFFFF  }
0xc8: {  	_ =	task.clear_ibuf [dreg:s8], $0x2FFFF;
	_ =	strace $0x9FFFFFFF  }
0xc9: {  	(tm) =	ssettm $0x7FFFFFFF  }
tec
execute0_lowered:
.L_overlay_start_1:
0x0: {  	(tag) =	ssettag $0x1  }
0x1: {  	s1 =	stileid.u32  }
0x2: {  	p0 =	sgt.u32 s1, $0x3  }
.Ltmp0:
0x3: {  	s5 =	rddreg [dreg:$0x0];
	(pc) =	sbr.rel @p0 .LBB2_33-.Ltmp0, $4  }
0x4: {  	s3 =	rddreg [dreg:$0x1]  }
0x5: {  	s4 =	rddreg [dreg:$0x2];
	s2 =	simm.s32 $0x0  }
0x6: {  	[smem:$0x7FF] =	sst s2  }
0x7: {  	s0 =	rddreg [dreg:$0x3];
	_ =	strace $0x80000047  }
0x8: {  	s6 =	srdreg.scid  }
0x9: {  	s7 =	sshll.u32 s1, $0x1;
	s6 =	sand.u32 $0x1, s6  }
0xa: {  	s10 =	simm.s32 $0x6280;
	s7 =	sor.u32 s6, s7  }
0xb: {  	s11 =	simm.s32 $0x12780;
	s6 =	ssub.s32 $0x2, s6;
	s8 =	smul.u32 $0xC4E, s7  }
0xc: {  	s12 =	simm.s32 $0x0;
	s7 =	smul.u32 $0x276, s7;
	s9 =	sshrl.u32 s6, $0x1  }
0xd: {  	s6 =	ssub.s32 s6, s9;
	s9 =	simm.s32 $0x18A00;
	s4 =	sadd.s32 s8, s4  }
0xe: {  	v0 =	vlaneseq.u32;
	s3 =	sadd.s32 s3, s7;
	s5 =	sadd.s32 s5, s8;
	s6 =	smax.u32 s6, $0x1  }
0xf: {  	v1 =	vimm.s32 $0x0;
	v3 =	vimm.s32 $0x1;
	v2 =	vmul.u32 $0x627, v0;
	s7 =	simm.s32 $0xC500;
	s8 =	simm.s32 $0x1;
	s4 =	sadd.s32 $0x680C00, s4  }
.LBB2_2:
0x10: {  	[tilespmem:s7], [sflag:$0x1] =	stream.linear.gather [hbm4b:s5+s2], $0x6270, $0x38;
	[tilespmem:$0x1CA00] =	vst v63  }
0x11: {  	_ =	swait.ge [sflag:s8], $0x6270  }
0x12: {  	[sflag:s8] =	ssyncset.done $0x0  }
0x13: {  	s13 =	simm.s32 $0xC520;
	[sflag:s8] =	ssyncadd.s32 $0xFFFF9D90  }
0x14: {  	v4 =	vld [tilespmem:s13+$0xFFFFFFE0];
	_ =	sdelay $0x4  }
0x15: {  	s14 =	simm.s32 $0x20;
	s16 =	simm.s32 $0x0;
	v4 =	vxor.u32 $0xFFFFFFFF, v4  }
0x16: {  	s15 =	simm.s32 $0x62A0;
	[tilespmem:s14+$0xFFFFFFE0] =	vst v4;
	v4 =	vor.u32 s16, v0  }
0x17: {  	[tilespmem:s15+$0xFFFFFFE0] =	vst v4  }
0x18: {  	v4 =	vld [tilespmem:s13+$0xFFFFFFF0];
	_ =	sdelay $0x4  }
0x19: {  	s29 =	simm.s32 $0x10;
	v4 =	vxor.u32 $0xFFFFFFFF, v4  }
0x1a: {  	[tilespmem:s14+$0xFFFFFFF0] =	vst v4;
	v4 =	vor.u32 s29, v0  }
0x1b: {  	[tilespmem:s15+$0xFFFFFFF0] =	vst v4  }
0x1c: {  	v4 =	vld [tilespmem:s13+$0x0];
	_ =	sdelay $0x4  }
0x1d: {  	s30 =	simm.s32 $0x20;
	v4 =	vxor.u32 $0xFFFFFFFF, v4  }
0x1e: {  	[tilespmem:s14+$0x0] =	vst v4;
	v4 =	vor.u32 s30, v0  }
0x1f: {  	[tilespmem:s15+$0x0] =	vst v4  }
0x20: {  	v4 =	vld [tilespmem:s13+$0x10];
	_ =	sdelay $0x4  }
0x21: {  	s31 =	simm.s32 $0x30;
	v4 =	vxor.u32 $0xFFFFFFFF, v4  }
0x22: {  	[tilespmem:s14+$0x10] =	vst v4;
	v4 =	vor.u32 s31, v0  }
0x23: {  	[tilespmem:s15+$0x10] =	vst v4  }
0x24: {  	v4 =	vld [tilespmem:s13+$0x20];
	_ =	sdelay $0x4  }
0x25: {  	s17 =	simm.s32 $0x40;
	v4 =	vxor.u32 $0xFFFFFFFF, v4  }
0x26: {  	s16 =	simm.s32 $0x90;
	[tilespmem:s14+$0x20] =	vst v4;
	v4 =	vor.u32 s17, v0  }
.LBB2_3:
0x27: {  	[tilespmem:s15+$0x20] =	vst v4;
	s15 =	sadd.s32 $0x50, s15;
	s14 =	sadd.s32 $0x50, s14;
	s13 =	sadd.s32 $0x50, s13  }
0x28: {  	p0 =	sne.s32 s16, $0x6260;
	s17 =	smov.u32 s16;
	s16 =	sadd.s32 $0x50, s16;
	v4 =	vld [tilespmem:s13+$0xFFFFFFE0]  }
0x29: {  	_ =	sdelay $0x3  }
0x2a: {  	s18 =	sadd.s32 $0xFFFFFFC0, s17;
	v4 =	vxor.u32 $0xFFFFFFFF, v4  }
0x2b: {  	[tilespmem:s14+$0xFFFFFFE0] =	vst v4;
	v4 =	vor.u32 s18, v0  }
0x2c: {  	[tilespmem:s15+$0xFFFFFFE0] =	vst v4  }
0x2d: {  	v4 =	vld [tilespmem:s13+$0xFFFFFFF0];
	_ =	sdelay $0x4  }
0x2e: {  	s18 =	sadd.s32 $0xFFFFFFD0, s17;
	v4 =	vxor.u32 $0xFFFFFFFF, v4  }
0x2f: {  	[tilespmem:s14+$0xFFFFFFF0] =	vst v4;
	v4 =	vor.u32 s18, v0  }
0x30: {  	[tilespmem:s15+$0xFFFFFFF0] =	vst v4  }
0x31: {  	v4 =	vld [tilespmem:s13+$0x0];
	_ =	sdelay $0x4  }
0x32: {  	s18 =	sadd.s32 $0xFFFFFFE0, s17;
	v4 =	vxor.u32 $0xFFFFFFFF, v4  }
0x33: {  	[tilespmem:s14+$0x0] =	vst v4;
	v4 =	vor.u32 s18, v0  }
0x34: {  	[tilespmem:s15+$0x0] =	vst v4  }
0x35: {  	v4 =	vld [tilespmem:s13+$0x10];
	_ =	sdelay $0x4  }
0x36: {  	s18 =	sadd.s32 $0xFFFFFFF0, s17;
	v4 =	vxor.u32 $0xFFFFFFFF, v4  }
0x37: {  	[tilespmem:s14+$0x10] =	vst v4;
	v4 =	vor.u32 s18, v0  }
0x38: {  	[tilespmem:s15+$0x10] =	vst v4  }
0x39: {  	v4 =	vld [tilespmem:s13+$0x20];
	_ =	sdelay $0x1  }
.Ltmp1:
0x3a: {  	(pc) =	sbr.rel @p0 .LBB2_3-.Ltmp1, $3  }
0x3b: {  	_ =	sdelay $0x1  }
0x3c: {  	v4 =	vxor.u32 $0xFFFFFFFF, v4  }
0x3d: {  	[tilespmem:s14+$0x20] =	vst v4;
	v4 =	vor.u32 s17, v0  }
0x3e: {  	[tilespmem:s15+$0x20] =	vst v4;
	s13 =	simm.s32 $0x0  }
.LBB2_5:
0x3f: {  	p0 =	sne.s32 s13, $0xFF00  }
.Ltmp2:
0x40: {  	s14 =	sshra.s32 s13, $0x2;
	(pc) =	sbr.rel @p0 .LBB2_5-.Ltmp2, $4  }
0x41: {  	[tilespmem:s14+$0x18A00] =	vst v1  }
0x42: {  	[tilespmem:s14+$0x18A10] =	vst v1  }
0x43: {  	[tilespmem:s14+$0x18A20] =	vst v1  }
0x44: {  	s13 =	sadd.s32 $0x100, s13;
	[tilespmem:s14+$0x18A30] =	vst v1  }
0x45: {  	s14 =	simm.s32 $0x4  }
.LBB2_7:
0x46: {  	s13 =	sadd.s32 $0xFFFFFFFC, s14  }
0x47: {  	v4 =	vadd.s32 s13, v2;
	_ =	sdelay $0x3  }
0x48: {  	s13 =	simm.s32 $0x0  }
0x49: {  	v4 =	vld.idx.msk [tilespmem:v4+s13+$0x0], $0xffff;
	_ =	sdelay $0x4  }
0x4a: {  	v4 =	vshll.u32 v4, $0x4  }
0x4b: {  	v4 =	vor.u32 v0, v4  }
0x4c: {  	s15 =	sadd.s32 $0xFFFFFFFD, s14;
	v4 =	vand.u32 $0x3FFF, v4  }
0x4d: {  	v5 =	vadd.s32 s15, v2;
	_ =	sdelay $0x3  }
0x4e: {  	[tilespmem:v4+s9+$0x0] =	vst.idx.add.s32.msk $0xffff, v3  }
0x4f: {  	v4 =	vld.idx.msk [tilespmem:v5+s13+$0x0], $0xffff;
	_ =	sdelay $0x4  }
0x50: {  	v4 =	vshll.u32 v4, $0x4  }
0x51: {  	v4 =	vor.u32 v0, v4  }
0x52: {  	s30 =	sadd.s32 $0xFFFFFFFE, s14;
	v4 =	vand.u32 $0x3FFF, v4  }
0x53: {  	v5 =	vadd.s32 s30, v2;
	_ =	sdelay $0x3  }
0x54: {  	[tilespmem:v4+s9+$0x0] =	vst.idx.add.s32.msk $0xffff, v3  }
0x55: {  	v4 =	vld.idx.msk [tilespmem:v5+s13+$0x0], $0xffff;
	_ =	sdelay $0x4  }
0x56: {  	v4 =	vshll.u32 v4, $0x4  }
0x57: {  	v4 =	vor.u32 v0, v4  }
0x58: {  	s31 =	sadd.s32 $0xFFFFFFFF, s14;
	v4 =	vand.u32 $0x3FFF, v4  }
0x59: {  	v5 =	vadd.s32 s31, v2;
	_ =	sdelay $0x3  }
0x5a: {  	[tilespmem:v4+s9+$0x0] =	vst.idx.add.s32.msk $0xffff, v3  }
0x5b: {  	v4 =	vld.idx.msk [tilespmem:v5+s13+$0x0], $0xffff;
	_ =	sdelay $0x4  }
0x5c: {  	v4 =	vshll.u32 v4, $0x4  }
0x5d: {  	v4 =	vor.u32 v0, v4  }
0x5e: {  	v4 =	vand.u32 $0x3FFF, v4  }
0x5f: {  	v5 =	vadd.s32 s14, v2;
	_ =	sdelay $0x3  }
0x60: {  	[tilespmem:v4+s9+$0x0] =	vst.idx.add.s32.msk $0xffff, v3  }
0x61: {  	v4 =	vld.idx.msk [tilespmem:v5+s13+$0x0], $0xffff;
	_ =	sdelay $0x4  }
0x62: {  	v4 =	vshll.u32 v4, $0x4  }
0x63: {  	v4 =	vor.u32 v0, v4  }
0x64: {  	p0 =	sne.s32 s14, $0x626;
	v4 =	vand.u32 $0x3FFF, v4  }
.Ltmp3:
0x65: {  	_ = 	snop;
	(pc) =	sbr.rel @p0 .LBB2_7-.Ltmp3, $2  }
0x66: {  	_ =	sdelay $0x2  }
0x67: {  	s14 =	sadd.s32 $0x5, s14;
	[tilespmem:v4+s9+$0x0] =	vst.idx.add.s32.msk $0xffff, v3  }
0x68: {  	s14 =	simm.s32 $0x0  }
0x69: {  	v4 =	vld [tilespmem:s14+$0x18A00];
	_ =	sdelay $0x4  }
0x6a: {  	(xrf0) =	vadd.scan.msk.s32 $0xffff, v4  }
0x6b: {  	v5 =	vld [tilespmem:s14+$0x18A10];
	_ =	sdelay $0x4  }
0x6c: {  	v6, _, _ =	vpop (xrf0);
	(xrf0) =	vadd.scan.msk.s32 $0xffff, v5  }
0x6d: {  	v7 =	vld [tilespmem:s14+$0x18A20];
	(v2sf) =	vpush v6, $0xF;
	_ =	sdelay $0x4  }
0x6e: {  	v8 =	vld [tilespmem:s14+$0x18A30];
	(xrf0) =	vadd.scan.msk.s32 $0xffff, v7;
	v9, _, _ =	vpop (xrf0)  }
0x6f: {  	(v2sf) =	vpush v9, $0xF;
	_ =	sdelay $0x3  }
0x70: {  	v4 =	vsub.s32 s13, v4;
	(xrf0) =	vadd.scan.msk.s32 $0xffff, v8  }
0x71: {  	v4 =	vadd.s32 v6, v4;
	v10, _, _ =	vpop (xrf0)  }
0x72: {  	s13 =	simm.s32 $0x40;
	[tilespmem:s14+$0x18A00] =	vst v4;
	(v2sf) =	vpush v10, $0xF  }
0x73: {  	v4 =	vld [tilespmem:s13+$0x18A00];
	_ =	sdelay $0x1  }
0x74: {  	s15 =	spop (v2sf)  }
0x75: {  	v5 =	vsub.s32 v9, v5;
	v6, _, _ =	vpop (xrf0);
	s15 =	sadd.s32 $0x0, s15  }
0x76: {  	(v2sf) =	vpush v6, $0xF;
	v5 =	vadd.s32 s15, v5  }
0x77: {  	(xrf0) =	vadd.scan.msk.s32 $0xffff, v4;
	[tilespmem:s14+$0x18A10] =	vst v5  }
0x78: {  	v9 =	vld [tilespmem:s13+$0x18A10];
	_ =	sdelay $0x1  }
0x79: {  	s16 =	spop (v2sf)  }
0x7a: {  	v5 =	vsub.s32 v10, v7;
	s15 =	sadd.s32 s15, s16  }
0x7b: {  	v5 =	vadd.s32 s15, v5  }
0x7c: {  	v7, _, _ =	vpop (xrf0);
	(xrf0) =	vadd.scan.msk.s32 $0xffff, v9;
	[tilespmem:s14+$0x18A20] =	vst v5  }
0x7d: {  	(v2sf) =	vpush v7, $0xF;
	v5 =	vld [tilespmem:s13+$0x18A20];
	_ =	sdelay $0x1  }
0x7e: {  	s31 =	spop (v2sf)  }
0x7f: {  	v6 =	vsub.s32 v6, v8;
	s15 =	sadd.s32 s15, s31  }
0x80: {  	v6 =	vadd.s32 s15, v6  }
0x81: {  	[tilespmem:s14+$0x18A30] =	vst v6;
	v10, _, _ =	vpop (xrf0);
	(xrf0) =	vadd.scan.msk.s32 $0xffff, v5  }
0x82: {  	v6 =	vld [tilespmem:s13+$0x18A30];
	(v2sf) =	vpush v10, $0xF  }
0x83: {  	s14 =	simm.s32 $0x200;
	s16 =	spop (v2sf);
	v8 =	vsub.s32 v10, v9  }
.LBB2_9:
0x84: {  	p0 =	sne.s32 s14, $0xFF00  }
0x85: {  	s15 =	sadd.s32 s15, s16;
	s16 =	smov.u32 s14;
	s14 =	sadd.s32 $0x100, s14  }
0x86: {  	v4 =	vsub.s32 s15, v4  }
0x87: {  	v4 =	vadd.s32 v7, v4;
	v7, _, _ =	vpop (xrf0);
	(xrf0) =	vadd.scan.msk.s32 $0xffff, v6  }
0x88: {  	s16 =	sshra.s32 s16, $0x2;
	[tilespmem:s13+$0x18A00] =	vst v4;
	v5 =	vsub.s32 v7, v5;
	(v2sf) =	vpush v7, $0xF  }
0x89: {  	v4 =	vld [tilespmem:s16+$0x18A00];
	_ =	sdelay $0x1  }
0x8a: {  	s17 =	spop (v2sf)  }
0x8b: {  	s15 =	sadd.s32 s15, s17  }
0x8c: {  	v7 =	vadd.s32 s15, v8;
	v8, _, _ =	vpop (xrf0)  }
0x8d: {  	(xrf0) =	vadd.scan.msk.s32 $0xffff, v4;
	[tilespmem:s13+$0x18A10] =	vst v7;
	v6 =	vsub.s32 v8, v6;
	(v2sf) =	vpush v8, $0xF  }
0x8e: {  	v8 =	vld [tilespmem:s16+$0x18A10];
	_ =	sdelay $0x1  }
0x8f: {  	s17 =	spop (v2sf)  }
0x90: {  	s15 =	sadd.s32 s15, s17  }
0x91: {  	v5 =	vadd.s32 s15, v5  }
0x92: {  	v7, _, _ =	vpop (xrf0);
	(xrf0) =	vadd.scan.msk.s32 $0xffff, v8;
	[tilespmem:s13+$0x18A20] =	vst v5  }
0x93: {  	v5 =	vld [tilespmem:s16+$0x18A20];
	(v2sf) =	vpush v7, $0xF;
	_ =	sdelay $0x1  }
0x94: {  	s17 =	spop (v2sf)  }
0x95: {  	s15 =	sadd.s32 s15, s17  }
.Ltmp4:
0x96: {  	v6 =	vadd.s32 s15, v6;
	(pc) =	sbr.rel @p0 .LBB2_9-.Ltmp4, $3  }
0x97: {  	v9, _, _ =	vpop (xrf0);
	(xrf0) =	vadd.scan.msk.s32 $0xffff, v5;
	[tilespmem:s13+$0x18A30] =	vst v6;
	s13 =	smov.u32 s16  }
0x98: {  	v8 =	vsub.s32 v9, v8;
	v6 =	vld [tilespmem:s13+$0x18A30];
	(v2sf) =	vpush v9, $0xF;
	_ =	sdelay $0x1  }
0x99: {  	s16 =	spop (v2sf)  }
0x9a: {  	_ =	sdelay $0x1  }
0x9b: {  	(xrf0) =	vadd.scan.msk.s32 $0xffff, v6;
	_ =	sdelay $0x2  }
0x9c: {  	v9, _, _ =	vpop (xrf0)  }
0x9d: {  	(v2sf) =	vpush v9, $0xF;
	_ =	sdelay $0x1  }
0x9e: {  	v10, _, _ =	vpop (xrf0)  }
0x9f: {  	(v2sf) =	vpush v10, $0xF;
	_ =	sdelay $0x8  }
0xa0: {  	s14 =	sadd.s32 s15, s16  }
0xa1: {  	v4 =	vsub.s32 s14, v4;
	s28 =	spop (v2sf)  }
0xa2: {  	v4 =	vadd.s32 v7, v4;
	s14 =	sadd.s32 s14, s28;
	s29 =	spop (v2sf)  }
0xa3: {  	[tilespmem:s13+$0x18A00] =	vst v4;
	v4 =	vsub.s32 v9, v5;
	v5 =	vadd.s32 s14, v8;
	s14 =	sadd.s32 s14, s29;
	s30 =	spop (v2sf)  }
0xa4: {  	[tilespmem:s13+$0x18A10] =	vst v5;
	v5 =	vsub.s32 v10, v6;
	v4 =	vadd.s32 s14, v4;
	s14 =	sadd.s32 s14, s30  }
0xa5: {  	[tilespmem:s13+$0x18A20] =	vst v4;
	v4 =	vadd.s32 s14, v5  }
0xa6: {  	s14 =	simm.s32 $0x4;
	[tilespmem:s13+$0x18A30] =	vst v4;
	s31 =	spop (v2sf)  }
.LBB2_11:
0xa7: {  	s13 =	sadd.s32 $0xFFFFFFFC, s14  }
0xa8: {  	v4 =	vadd.s32 s13, v2;
	_ =	sdelay $0x3  }
0xa9: {  	s13 =	simm.s32 $0x0  }
0xaa: {  	v5 =	vld.idx.msk [tilespmem:v4+s13+$0x0], $0xffff;
	_ =	sdelay $0x4  }
0xab: {  	v6 =	vshll.u32 v5, $0x4  }
0xac: {  	v6 =	vor.u32 v0, v6  }
0xad: {  	v6 =	vand.u32 $0x3FFF, v6;
	_ =	sdelay $0x4  }
0xae: {  	v7 =	vld.idx.msk [tilespmem:v6+s9+$0x0], $0xffff;
	_ =	sdelay $0x3  }
0xaf: {  	v4 =	vld.idx.msk [tilespmem:v4+s10+$0x0], $0xffff  }
0xb0: {  	s15 =	sadd.s32 $0xFFFFFFFD, s14  }
0xb1: {  	v8 =	vadd.s32 s15, v2;
	_ =	sdelay $0x1  }
0xb2: {  	[tilespmem:v7+s7+$0x0] =	vst.idx.msk $0xffff, v5  }
0xb3: {  	[tilespmem:v7+s11+$0x0] =	vst.idx.msk $0xffff, v4  }
0xb4: {  	[tilespmem:v6+s9+$0x0] =	vst.idx.add.s32.msk $0xffff, v3  }
0xb5: {  	v4 =	vld.idx.msk [tilespmem:v8+s13+$0x0], $0xffff;
	_ =	sdelay $0x4  }
0xb6: {  	v5 =	vshll.u32 v4, $0x4  }
0xb7: {  	v5 =	vor.u32 v0, v5  }
0xb8: {  	v5 =	vand.u32 $0x3FFF, v5;
	_ =	sdelay $0x4  }
0xb9: {  	v6 =	vld.idx.msk [tilespmem:v5+s9+$0x0], $0xffff;
	_ =	sdelay $0x3  }
0xba: {  	v7 =	vld.idx.msk [tilespmem:v8+s10+$0x0], $0xffff  }
0xbb: {  	s30 =	sadd.s32 $0xFFFFFFFE, s14  }
0xbc: {  	v61 =	vadd.s32 s30, v2;
	_ =	sdelay $0x1  }
0xbd: {  	[tilespmem:v6+s7+$0x0] =	vst.idx.msk $0xffff, v4  }
0xbe: {  	[tilespmem:v6+s11+$0x0] =	vst.idx.msk $0xffff, v7  }
0xbf: {  	[tilespmem:v5+s9+$0x0] =	vst.idx.add.s32.msk $0xffff, v3  }
0xc0: {  	v4 =	vld.idx.msk [tilespmem:v61+s13+$0x0], $0xffff;
	_ =	sdelay $0x4  }
0xc1: {  	v5 =	vshll.u32 v4, $0x4  }
0xc2: {  	v5 =	vor.u32 v0, v5  }
0xc3: {  	v5 =	vand.u32 $0x3FFF, v5;
	_ =	sdelay $0x4  }
0xc4: {  	v6 =	vld.idx.msk [tilespmem:v5+s9+$0x0], $0xffff;
	_ =	sdelay $0x3  }
0xc5: {  	v7 =	vld.idx.msk [tilespmem:v61+s10+$0x0], $0xffff  }
0xc6: {  	s31 =	sadd.s32 $0xFFFFFFFF, s14  }
0xc7: {  	v62 =	vadd.s32 s31, v2;
	_ =	sdelay $0x1  }
0xc8: {  	[tilespmem:v6+s7+$0x0] =	vst.idx.msk $0xffff, v4  }
0xc9: {  	[tilespmem:v6+s11+$0x0] =	vst.idx.msk $0xffff, v7  }
0xca: {  	[tilespmem:v5+s9+$0x0] =	vst.idx.add.s32.msk $0xffff, v3  }
0xcb: {  	v4 =	vld.idx.msk [tilespmem:v62+s13+$0x0], $0xffff;
	_ =	sdelay $0x4  }
0xcc: {  	v5 =	vshll.u32 v4, $0x4  }
0xcd: {  	v5 =	vor.u32 v0, v5  }
0xce: {  	v5 =	vand.u32 $0x3FFF, v5;
	_ =	sdelay $0x4  }
0xcf: {  	v6 =	vld.idx.msk [tilespmem:v5+s9+$0x0], $0xffff;
	_ =	sdelay $0x3  }
0xd0: {  	v7 =	vld.idx.msk [tilespmem:v62+s10+$0x0], $0xffff;
	_ =	sdelay $0x1  }
0xd1: {  	v63 =	vadd.s32 s14, v2;
	_ =	sdelay $0x1  }
0xd2: {  	[tilespmem:v6+s7+$0x0] =	vst.idx.msk $0xffff, v4  }
0xd3: {  	[tilespmem:v6+s11+$0x0] =	vst.idx.msk $0xffff, v7  }
0xd4: {  	[tilespmem:v5+s9+$0x0] =	vst.idx.add.s32.msk $0xffff, v3  }
0xd5: {  	v4 =	vld.idx.msk [tilespmem:v63+s13+$0x0], $0xffff;
	_ =	sdelay $0x4  }
0xd6: {  	v5 =	vshll.u32 v4, $0x4  }
0xd7: {  	v5 =	vor.u32 v0, v5  }
0xd8: {  	v5 =	vand.u32 $0x3FFF, v5;
	_ =	sdelay $0x4  }
0xd9: {  	v6 =	vld.idx.msk [tilespmem:v5+s9+$0x0], $0xffff;
	_ =	sdelay $0x3  }
0xda: {  	v7 =	vld.idx.msk [tilespmem:v63+s10+$0x0], $0xffff  }
0xdb: {  	p0 =	sne.s32 s14, $0x626  }
.Ltmp5:
0xdc: {  	_ = 	snop;
	(pc) =	sbr.rel @p0 .LBB2_11-.Ltmp5, $4  }
0xdd: {  	_ = 	snop  }
0xde: {  	[tilespmem:v6+s7+$0x0] =	vst.idx.msk $0xffff, v4  }
0xdf: {  	[tilespmem:v6+s11+$0x0] =	vst.idx.msk $0xffff, v7  }
0xe0: {  	s14 =	sadd.s32 $0x5, s14;
	[tilespmem:v5+s9+$0x0] =	vst.idx.add.s32.msk $0xffff, v3  }
.LBB2_12:
0xe1: {  	p0 =	sne.s32 s13, $0xFF00  }
.Ltmp6:
0xe2: {  	s14 =	sshra.s32 s13, $0x2;
	(pc) =	sbr.rel @p0 .LBB2_12-.Ltmp6, $4  }
0xe3: {  	[tilespmem:s14+$0x18A00] =	vst v1  }
0xe4: {  	[tilespmem:s14+$0x18A10] =	vst v1  }
0xe5: {  	[tilespmem:s14+$0x18A20] =	vst v1  }
0xe6: {  	s13 =	sadd.s32 $0x100, s13;
	[tilespmem:s14+$0x18A30] =	vst v1  }
0xe7: {  	s13 =	simm.s32 $0x4  }
.LBB2_14:
0xe8: {  	s14 =	sadd.s32 $0xFFFFFFFC, s13  }
0xe9: {  	v4 =	vadd.s32 s14, v2;
	_ =	sdelay $0x4  }
0xea: {  	v4 =	vld.idx.msk [tilespmem:v4+s7+$0x0], $0xffff;
	_ =	sdelay $0x4  }
0xeb: {  	v4 =	vshrl.u32 v4, $0x6  }
0xec: {  	v4 =	vand.u32 $0x3FF0, v4  }
0xed: {  	s29 =	sadd.s32 $0xFFFFFFFD, s13;
	v4 =	vor.u32 v0, v4  }
0xee: {  	v5 =	vadd.s32 s29, v2;
	_ =	sdelay $0x3  }
0xef: {  	[tilespmem:v4+s9+$0x0] =	vst.idx.add.s32.msk $0xffff, v3  }
0xf0: {  	v4 =	vld.idx.msk [tilespmem:v5+s7+$0x0], $0xffff;
	_ =	sdelay $0x4  }
0xf1: {  	v4 =	vshrl.u32 v4, $0x6  }
0xf2: {  	v4 =	vand.u32 $0x3FF0, v4  }
0xf3: {  	s30 =	sadd.s32 $0xFFFFFFFE, s13;
	v4 =	vor.u32 v0, v4  }
0xf4: {  	v5 =	vadd.s32 s30, v2;
	_ =	sdelay $0x3  }
0xf5: {  	[tilespmem:v4+s9+$0x0] =	vst.idx.add.s32.msk $0xffff, v3  }
0xf6: {  	v4 =	vld.idx.msk [tilespmem:v5+s7+$0x0], $0xffff;
	_ =	sdelay $0x4  }
0xf7: {  	v4 =	vshrl.u32 v4, $0x6  }
0xf8: {  	v4 =	vand.u32 $0x3FF0, v4  }
0xf9: {  	s31 =	sadd.s32 $0xFFFFFFFF, s13;
	v4 =	vor.u32 v0, v4  }
0xfa: {  	v5 =	vadd.s32 s31, v2;
	_ =	sdelay $0x3  }
0xfb: {  	[tilespmem:v4+s9+$0x0] =	vst.idx.add.s32.msk $0xffff, v3  }
0xfc: {  	v4 =	vld.idx.msk [tilespmem:v5+s7+$0x0], $0xffff;
	_ =	sdelay $0x4  }
0xfd: {  	v4 =	vshrl.u32 v4, $0x6  }
0xfe: {  	v4 =	vand.u32 $0x3FF0, v4  }
0xff: {  	v4 =	vor.u32 v0, v4  }
0x100: {  	v5 =	vadd.s32 s13, v2;
	_ =	sdelay $0x3  }
0x101: {  	[tilespmem:v4+s9+$0x0] =	vst.idx.add.s32.msk $0xffff, v3  }
0x102: {  	v4 =	vld.idx.msk [tilespmem:v5+s7+$0x0], $0xffff;
	_ =	sdelay $0x4  }
0x103: {  	v4 =	vshrl.u32 v4, $0x6  }
0x104: {  	v4 =	vand.u32 $0x3FF0, v4  }
0x105: {  	p0 =	sne.s32 s13, $0x626;
	v4 =	vor.u32 v0, v4  }
.Ltmp7:
0x106: {  	_ = 	snop;
	(pc) =	sbr.rel @p0 .LBB2_14-.Ltmp7, $2  }
0x107: {  	_ =	sdelay $0x2  }
0x108: {  	s13 =	sadd.s32 $0x5, s13;
	[tilespmem:v4+s9+$0x0] =	vst.idx.add.s32.msk $0xffff, v3  }
0x109: {  	s14 =	simm.s32 $0x0  }
0x10a: {  	v4 =	vld [tilespmem:s14+$0x18A00];
	_ =	sdelay $0x4  }
0x10b: {  	(xrf0) =	vadd.scan.msk.s32 $0xffff, v4  }
0x10c: {  	v5 =	vld [tilespmem:s14+$0x18A10];
	_ =	sdelay $0x4  }
0x10d: {  	v6, _, _ =	vpop (xrf0);
	(xrf0) =	vadd.scan.msk.s32 $0xffff, v5  }
0x10e: {  	v7 =	vld [tilespmem:s14+$0x18A20];
	(v2sf) =	vpush v6, $0xF;
	_ =	sdelay $0x4  }
0x10f: {  	v8 =	vld [tilespmem:s14+$0x18A30];
	(xrf0) =	vadd.scan.msk.s32 $0xffff, v7;
	v9, _, _ =	vpop (xrf0)  }
0x110: {  	(v2sf) =	vpush v9, $0xF;
	_ =	sdelay $0x2  }
0x111: {  	s13 =	simm.s32 $0x0  }
0x112: {  	v4 =	vsub.s32 s13, v4;
	(xrf0) =	vadd.scan.msk.s32 $0xffff, v8  }
0x113: {  	v4 =	vadd.s32 v6, v4;
	v10, _, _ =	vpop (xrf0)  }
0x114: {  	s13 =	simm.s32 $0x40;
	[tilespmem:s14+$0x18A00] =	vst v4;
	(v2sf) =	vpush v10, $0xF  }
0x115: {  	v4 =	vld [tilespmem:s13+$0x18A00];
	_ =	sdelay $0x1  }
0x116: {  	s15 =	spop (v2sf)  }
0x117: {  	v5 =	vsub.s32 v9, v5;
	v6, _, _ =	vpop (xrf0);
	s15 =	sadd.s32 $0x0, s15  }
0x118: {  	(v2sf) =	vpush v6, $0xF;
	v5 =	vadd.s32 s15, v5  }
0x119: {  	(xrf0) =	vadd.scan.msk.s32 $0xffff, v4;
	[tilespmem:s14+$0x18A10] =	vst v5  }
0x11a: {  	v9 =	vld [tilespmem:s13+$0x18A10];
	_ =	sdelay $0x1  }
0x11b: {  	s16 =	spop (v2sf)  }
0x11c: {  	v5 =	vsub.s32 v10, v7;
	s15 =	sadd.s32 s15, s16  }
0x11d: {  	v5 =	vadd.s32 s15, v5  }
0x11e: {  	v7, _, _ =	vpop (xrf0);
	(xrf0) =	vadd.scan.msk.s32 $0xffff, v9;
	[tilespmem:s14+$0x18A20] =	vst v5  }
0x11f: {  	(v2sf) =	vpush v7, $0xF;
	v5 =	vld [tilespmem:s13+$0x18A20];
	_ =	sdelay $0x1  }
0x120: {  	s31 =	spop (v2sf)  }
0x121: {  	v6 =	vsub.s32 v6, v8;
	s15 =	sadd.s32 s15, s31  }
0x122: {  	v6 =	vadd.s32 s15, v6  }
0x123: {  	[tilespmem:s14+$0x18A30] =	vst v6;
	v10, _, _ =	vpop (xrf0);
	(xrf0) =	vadd.scan.msk.s32 $0xffff, v5  }
0x124: {  	v6 =	vld [tilespmem:s13+$0x18A30];
	(v2sf) =	vpush v10, $0xF  }
0x125: {  	s14 =	simm.s32 $0x200;
	s16 =	spop (v2sf);
	v8 =	vsub.s32 v10, v9  }
.LBB2_16:
0x126: {  	p0 =	sne.s32 s14, $0xFF00  }
0x127: {  	s15 =	sadd.s32 s15, s16;
	s16 =	smov.u32 s14;
	s14 =	sadd.s32 $0x100, s14  }
0x128: {  	v4 =	vsub.s32 s15, v4  }
0x129: {  	v4 =	vadd.s32 v7, v4;
	v7, _, _ =	vpop (xrf0);
	(xrf0) =	vadd.scan.msk.s32 $0xffff, v6  }
0x12a: {  	s16 =	sshra.s32 s16, $0x2;
	[tilespmem:s13+$0x18A00] =	vst v4;
	v5 =	vsub.s32 v7, v5;
	(v2sf) =	vpush v7, $0xF  }
0x12b: {  	v4 =	vld [tilespmem:s16+$0x18A00];
	_ =	sdelay $0x1  }
0x12c: {  	s17 =	spop (v2sf)  }
0x12d: {  	s15 =	sadd.s32 s15, s17  }
0x12e: {  	v7 =	vadd.s32 s15, v8;
	v8, _, _ =	vpop (xrf0)  }
0x12f: {  	(xrf0) =	vadd.scan.msk.s32 $0xffff, v4;
	[tilespmem:s13+$0x18A10] =	vst v7;
	v6 =	vsub.s32 v8, v6;
	(v2sf) =	vpush v8, $0xF  }
0x130: {  	v8 =	vld [tilespmem:s16+$0x18A10];
	_ =	sdelay $0x1  }
0x131: {  	s17 =	spop (v2sf)  }
0x132: {  	s15 =	sadd.s32 s15, s17  }
0x133: {  	v5 =	vadd.s32 s15, v5  }
0x134: {  	v7, _, _ =	vpop (xrf0);
	(xrf0) =	vadd.scan.msk.s32 $0xffff, v8;
	[tilespmem:s13+$0x18A20] =	vst v5  }
0x135: {  	v5 =	vld [tilespmem:s16+$0x18A20];
	(v2sf) =	vpush v7, $0xF;
	_ =	sdelay $0x1  }
0x136: {  	s17 =	spop (v2sf)  }
0x137: {  	s15 =	sadd.s32 s15, s17  }
.Ltmp8:
0x138: {  	v6 =	vadd.s32 s15, v6;
	(pc) =	sbr.rel @p0 .LBB2_16-.Ltmp8, $3  }
0x139: {  	v9, _, _ =	vpop (xrf0);
	(xrf0) =	vadd.scan.msk.s32 $0xffff, v5;
	[tilespmem:s13+$0x18A30] =	vst v6;
	s13 =	smov.u32 s16  }
0x13a: {  	v8 =	vsub.s32 v9, v8;
	v6 =	vld [tilespmem:s13+$0x18A30];
	(v2sf) =	vpush v9, $0xF;
	_ =	sdelay $0x1  }
0x13b: {  	s16 =	spop (v2sf)  }
0x13c: {  	_ =	sdelay $0x1  }
0x13d: {  	(xrf0) =	vadd.scan.msk.s32 $0xffff, v6;
	_ =	sdelay $0x2  }
0x13e: {  	v9, _, _ =	vpop (xrf0)  }
0x13f: {  	(v2sf) =	vpush v9, $0xF;
	_ =	sdelay $0x1  }
0x140: {  	v10, _, _ =	vpop (xrf0)  }
0x141: {  	(v2sf) =	vpush v10, $0xF;
	_ =	sdelay $0x8  }
0x142: {  	s14 =	sadd.s32 s15, s16  }
0x143: {  	v4 =	vsub.s32 s14, v4;
	s28 =	spop (v2sf)  }
0x144: {  	v4 =	vadd.s32 v7, v4;
	s14 =	sadd.s32 s14, s28;
	s29 =	spop (v2sf)  }
0x145: {  	[tilespmem:s13+$0x18A00] =	vst v4;
	v4 =	vsub.s32 v9, v5;
	v5 =	vadd.s32 s14, v8;
	s14 =	sadd.s32 s14, s29;
	s30 =	spop (v2sf)  }
0x146: {  	[tilespmem:s13+$0x18A10] =	vst v5;
	v5 =	vsub.s32 v10, v6;
	v4 =	vadd.s32 s14, v4;
	s14 =	sadd.s32 s14, s30  }
0x147: {  	[tilespmem:s13+$0x18A20] =	vst v4;
	v4 =	vadd.s32 s14, v5  }
0x148: {  	[tilespmem:s13+$0x18A30] =	vst v4;
	s13 =	simm.s32 $0x4;
	s31 =	spop (v2sf)  }
.LBB2_18:
0x149: {  	s14 =	sadd.s32 $0xFFFFFFFC, s13  }
0x14a: {  	v4 =	vadd.s32 s14, v2;
	_ =	sdelay $0x4  }
0x14b: {  	v5 =	vld.idx.msk [tilespmem:v4+s7+$0x0], $0xffff;
	_ =	sdelay $0x4  }
0x14c: {  	v6 =	vshrl.u32 v5, $0x6  }
0x14d: {  	v6 =	vand.u32 $0x3FF0, v6  }
0x14e: {  	v6 =	vor.u32 v0, v6;
	_ =	sdelay $0x4  }
0x14f: {  	v7 =	vld.idx.msk [tilespmem:v6+s9+$0x0], $0xffff;
	_ =	sdelay $0x3  }
0x150: {  	v4 =	vld.idx.msk [tilespmem:v4+s11+$0x0], $0xffff  }
0x151: {  	s30 =	sadd.s32 $0xFFFFFFFD, s13  }
0x152: {  	v8 =	vadd.s32 s30, v2  }
0x153: {  	s14 =	simm.s32 $0x0  }
0x154: {  	[tilespmem:v7+s14+$0x0] =	vst.idx.msk $0xffff, v5  }
0x155: {  	[tilespmem:v7+s10+$0x0] =	vst.idx.msk $0xffff, v4  }
0x156: {  	[tilespmem:v6+s9+$0x0] =	vst.idx.add.s32.msk $0xffff, v3  }
0x157: {  	v4 =	vld.idx.msk [tilespmem:v8+s7+$0x0], $0xffff;
	_ =	sdelay $0x4  }
0x158: {  	v5 =	vshrl.u32 v4, $0x6  }
0x159: {  	v5 =	vand.u32 $0x3FF0, v5  }
0x15a: {  	v5 =	vor.u32 v0, v5;
	_ =	sdelay $0x4  }
0x15b: {  	v6 =	vld.idx.msk [tilespmem:v5+s9+$0x0], $0xffff;
	_ =	sdelay $0x3  }
0x15c: {  	v7 =	vld.idx.msk [tilespmem:v8+s11+$0x0], $0xffff  }
0x15d: {  	s15 =	sadd.s32 $0xFFFFFFFE, s13  }
0x15e: {  	v61 =	vadd.s32 s15, v2;
	_ =	sdelay $0x1  }
0x15f: {  	[tilespmem:v6+s14+$0x0] =	vst.idx.msk $0xffff, v4  }
0x160: {  	[tilespmem:v6+s10+$0x0] =	vst.idx.msk $0xffff, v7  }
0x161: {  	[tilespmem:v5+s9+$0x0] =	vst.idx.add.s32.msk $0xffff, v3  }
0x162: {  	v4 =	vld.idx.msk [tilespmem:v61+s7+$0x0], $0xffff;
	_ =	sdelay $0x4  }
0x163: {  	v5 =	vshrl.u32 v4, $0x6  }
0x164: {  	v5 =	vand.u32 $0x3FF0, v5  }
0x165: {  	v5 =	vor.u32 v0, v5;
	_ =	sdelay $0x4  }
0x166: {  	v6 =	vld.idx.msk [tilespmem:v5+s9+$0x0], $0xffff;
	_ =	sdelay $0x3  }
0x167: {  	v7 =	vld.idx.msk [tilespmem:v61+s11+$0x0], $0xffff  }
0x168: {  	s31 =	sadd.s32 $0xFFFFFFFF, s13  }
0x169: {  	v62 =	vadd.s32 s31, v2;
	_ =	sdelay $0x1  }
0x16a: {  	[tilespmem:v6+s14+$0x0] =	vst.idx.msk $0xffff, v4  }
0x16b: {  	[tilespmem:v6+s10+$0x0] =	vst.idx.msk $0xffff, v7  }
0x16c: {  	[tilespmem:v5+s9+$0x0] =	vst.idx.add.s32.msk $0xffff, v3  }
0x16d: {  	v4 =	vld.idx.msk [tilespmem:v62+s7+$0x0], $0xffff;
	_ =	sdelay $0x4  }
0x16e: {  	v5 =	vshrl.u32 v4, $0x6  }
0x16f: {  	v5 =	vand.u32 $0x3FF0, v5  }
0x170: {  	v5 =	vor.u32 v0, v5;
	_ =	sdelay $0x4  }
0x171: {  	v6 =	vld.idx.msk [tilespmem:v5+s9+$0x0], $0xffff;
	_ =	sdelay $0x3  }
0x172: {  	v7 =	vld.idx.msk [tilespmem:v62+s11+$0x0], $0xffff;
	_ =	sdelay $0x1  }
0x173: {  	v63 =	vadd.s32 s13, v2;
	_ =	sdelay $0x1  }
0x174: {  	[tilespmem:v6+s14+$0x0] =	vst.idx.msk $0xffff, v4  }
0x175: {  	[tilespmem:v6+s10+$0x0] =	vst.idx.msk $0xffff, v7  }
0x176: {  	[tilespmem:v5+s9+$0x0] =	vst.idx.add.s32.msk $0xffff, v3  }
0x177: {  	v4 =	vld.idx.msk [tilespmem:v63+s7+$0x0], $0xffff;
	_ =	sdelay $0x4  }
0x178: {  	v5 =	vshrl.u32 v4, $0x6  }
0x179: {  	v5 =	vand.u32 $0x3FF0, v5  }
0x17a: {  	v5 =	vor.u32 v0, v5;
	_ =	sdelay $0x4  }
0x17b: {  	v6 =	vld.idx.msk [tilespmem:v5+s9+$0x0], $0xffff;
	_ =	sdelay $0x3  }
0x17c: {  	v7 =	vld.idx.msk [tilespmem:v63+s11+$0x0], $0xffff  }
0x17d: {  	p0 =	sne.s32 s13, $0x626  }
.Ltmp9:
0x17e: {  	_ = 	snop;
	(pc) =	sbr.rel @p0 .LBB2_18-.Ltmp9, $4  }
0x17f: {  	_ = 	snop  }
0x180: {  	[tilespmem:v6+s14+$0x0] =	vst.idx.msk $0xffff, v4  }
0x181: {  	[tilespmem:v6+s10+$0x0] =	vst.idx.msk $0xffff, v7  }
0x182: {  	s13 =	sadd.s32 $0x5, s13;
	[tilespmem:v5+s9+$0x0] =	vst.idx.add.s32.msk $0xffff, v3  }
.LBB2_19:
0x183: {  	p0 =	sne.s32 s14, $0xFF00  }
.Ltmp10:
0x184: {  	s13 =	sshra.s32 s14, $0x2;
	(pc) =	sbr.rel @p0 .LBB2_19-.Ltmp10, $4  }
0x185: {  	[tilespmem:s13+$0x18A00] =	vst v1  }
0x186: {  	[tilespmem:s13+$0x18A10] =	vst v1  }
0x187: {  	[tilespmem:s13+$0x18A20] =	vst v1  }
0x188: {  	s14 =	sadd.s32 $0x100, s14;
	[tilespmem:s13+$0x18A30] =	vst v1  }
0x189: {  	s14 =	simm.s32 $0x4  }
.LBB2_21:
0x18a: {  	s13 =	sadd.s32 $0xFFFFFFFC, s14  }
0x18b: {  	v4 =	vadd.s32 s13, v2;
	_ =	sdelay $0x3  }
0x18c: {  	s13 =	simm.s32 $0x0  }
0x18d: {  	v4 =	vld.idx.msk [tilespmem:v4+s13+$0x0], $0xffff;
	_ =	sdelay $0x4  }
0x18e: {  	v4 =	vshrl.u32 v4, $0x10  }
0x18f: {  	v4 =	vand.u32 $0x3FF0, v4  }
0x190: {  	s15 =	sadd.s32 $0xFFFFFFFD, s14;
	v4 =	vor.u32 v0, v4  }
0x191: {  	v5 =	vadd.s32 s15, v2;
	_ =	sdelay $0x3  }
0x192: {  	[tilespmem:v4+s9+$0x0] =	vst.idx.add.s32.msk $0xffff, v3  }
0x193: {  	v4 =	vld.idx.msk [tilespmem:v5+s13+$0x0], $0xffff;
	_ =	sdelay $0x4  }
0x194: {  	v4 =	vshrl.u32 v4, $0x10  }
0x195: {  	v4 =	vand.u32 $0x3FF0, v4  }
0x196: {  	s30 =	sadd.s32 $0xFFFFFFFE, s14;
	v4 =	vor.u32 v0, v4  }
0x197: {  	v5 =	vadd.s32 s30, v2;
	_ =	sdelay $0x3  }
0x198: {  	[tilespmem:v4+s9+$0x0] =	vst.idx.add.s32.msk $0xffff, v3  }
0x199: {  	v4 =	vld.idx.msk [tilespmem:v5+s13+$0x0], $0xffff;
	_ =	sdelay $0x4  }
0x19a: {  	v4 =	vshrl.u32 v4, $0x10  }
0x19b: {  	v4 =	vand.u32 $0x3FF0, v4  }
0x19c: {  	s31 =	sadd.s32 $0xFFFFFFFF, s14;
	v4 =	vor.u32 v0, v4  }
0x19d: {  	v5 =	vadd.s32 s31, v2;
	_ =	sdelay $0x3  }
0x19e: {  	[tilespmem:v4+s9+$0x0] =	vst.idx.add.s32.msk $0xffff, v3  }
0x19f: {  	v4 =	vld.idx.msk [tilespmem:v5+s13+$0x0], $0xffff;
	_ =	sdelay $0x4  }
0x1a0: {  	v4 =	vshrl.u32 v4, $0x10  }
0x1a1: {  	v4 =	vand.u32 $0x3FF0, v4  }
0x1a2: {  	v4 =	vor.u32 v0, v4  }
0x1a3: {  	v5 =	vadd.s32 s14, v2;
	_ =	sdelay $0x3  }
0x1a4: {  	[tilespmem:v4+s9+$0x0] =	vst.idx.add.s32.msk $0xffff, v3  }
0x1a5: {  	v4 =	vld.idx.msk [tilespmem:v5+s13+$0x0], $0xffff;
	_ =	sdelay $0x4  }
0x1a6: {  	v4 =	vshrl.u32 v4, $0x10  }
0x1a7: {  	v4 =	vand.u32 $0x3FF0, v4  }
0x1a8: {  	p0 =	sne.s32 s14, $0x626;
	v4 =	vor.u32 v0, v4  }
.Ltmp11:
0x1a9: {  	_ = 	snop;
	(pc) =	sbr.rel @p0 .LBB2_21-.Ltmp11, $2  }
0x1aa: {  	_ =	sdelay $0x2  }
0x1ab: {  	s14 =	sadd.s32 $0x5, s14;
	[tilespmem:v4+s9+$0x0] =	vst.idx.add.s32.msk $0xffff, v3  }
0x1ac: {  	s14 =	simm.s32 $0x0  }
0x1ad: {  	v4 =	vld [tilespmem:s14+$0x18A00];
	_ =	sdelay $0x4  }
0x1ae: {  	(xrf0) =	vadd.scan.msk.s32 $0xffff, v4  }
0x1af: {  	v5 =	vld [tilespmem:s14+$0x18A10];
	_ =	sdelay $0x4  }
0x1b0: {  	v6, _, _ =	vpop (xrf0);
	(xrf0) =	vadd.scan.msk.s32 $0xffff, v5  }
0x1b1: {  	v7 =	vld [tilespmem:s14+$0x18A20];
	(v2sf) =	vpush v6, $0xF;
	_ =	sdelay $0x4  }
0x1b2: {  	v8 =	vld [tilespmem:s14+$0x18A30];
	(xrf0) =	vadd.scan.msk.s32 $0xffff, v7;
	v9, _, _ =	vpop (xrf0)  }
0x1b3: {  	(v2sf) =	vpush v9, $0xF;
	_ =	sdelay $0x3  }
0x1b4: {  	v4 =	vsub.s32 s13, v4;
	(xrf0) =	vadd.scan.msk.s32 $0xffff, v8  }
0x1b5: {  	v4 =	vadd.s32 v6, v4;
	v10, _, _ =	vpop (xrf0)  }
0x1b6: {  	s13 =	simm.s32 $0x40;
	[tilespmem:s14+$0x18A00] =	vst v4;
	(v2sf) =	vpush v10, $0xF  }
0x1b7: {  	v4 =	vld [tilespmem:s13+$0x18A00];
	_ =	sdelay $0x1  }
0x1b8: {  	s15 =	spop (v2sf)  }
0x1b9: {  	v5 =	vsub.s32 v9, v5;
	v6, _, _ =	vpop (xrf0);
	s15 =	sadd.s32 $0x0, s15  }
0x1ba: {  	(v2sf) =	vpush v6, $0xF;
	v5 =	vadd.s32 s15, v5  }
0x1bb: {  	(xrf0) =	vadd.scan.msk.s32 $0xffff, v4;
	[tilespmem:s14+$0x18A10] =	vst v5  }
0x1bc: {  	v9 =	vld [tilespmem:s13+$0x18A10];
	_ =	sdelay $0x1  }
0x1bd: {  	s16 =	spop (v2sf)  }
0x1be: {  	v5 =	vsub.s32 v10, v7;
	s15 =	sadd.s32 s15, s16  }
0x1bf: {  	v5 =	vadd.s32 s15, v5  }
0x1c0: {  	v7, _, _ =	vpop (xrf0);
	(xrf0) =	vadd.scan.msk.s32 $0xffff, v9;
	[tilespmem:s14+$0x18A20] =	vst v5  }
0x1c1: {  	(v2sf) =	vpush v7, $0xF;
	v5 =	vld [tilespmem:s13+$0x18A20];
	_ =	sdelay $0x1  }
0x1c2: {  	s31 =	spop (v2sf)  }
0x1c3: {  	v6 =	vsub.s32 v6, v8;
	s15 =	sadd.s32 s15, s31  }
0x1c4: {  	v6 =	vadd.s32 s15, v6  }
0x1c5: {  	[tilespmem:s14+$0x18A30] =	vst v6;
	v10, _, _ =	vpop (xrf0);
	(xrf0) =	vadd.scan.msk.s32 $0xffff, v5  }
0x1c6: {  	v6 =	vld [tilespmem:s13+$0x18A30];
	(v2sf) =	vpush v10, $0xF  }
0x1c7: {  	s14 =	simm.s32 $0x200;
	s16 =	spop (v2sf);
	v8 =	vsub.s32 v10, v9  }
.LBB2_23:
0x1c8: {  	p0 =	sne.s32 s14, $0xFF00  }
0x1c9: {  	s15 =	sadd.s32 s15, s16;
	s16 =	smov.u32 s14;
	s14 =	sadd.s32 $0x100, s14  }
0x1ca: {  	v4 =	vsub.s32 s15, v4  }
0x1cb: {  	v4 =	vadd.s32 v7, v4;
	v7, _, _ =	vpop (xrf0);
	(xrf0) =	vadd.scan.msk.s32 $0xffff, v6  }
0x1cc: {  	s16 =	sshra.s32 s16, $0x2;
	[tilespmem:s13+$0x18A00] =	vst v4;
	v5 =	vsub.s32 v7, v5;
	(v2sf) =	vpush v7, $0xF  }
0x1cd: {  	v4 =	vld [tilespmem:s16+$0x18A00];
	_ =	sdelay $0x1  }
0x1ce: {  	s17 =	spop (v2sf)  }
0x1cf: {  	s15 =	sadd.s32 s15, s17  }
0x1d0: {  	v7 =	vadd.s32 s15, v8;
	v8, _, _ =	vpop (xrf0)  }
0x1d1: {  	(xrf0) =	vadd.scan.msk.s32 $0xffff, v4;
	[tilespmem:s13+$0x18A10] =	vst v7;
	v6 =	vsub.s32 v8, v6;
	(v2sf) =	vpush v8, $0xF  }
0x1d2: {  	v8 =	vld [tilespmem:s16+$0x18A10];
	_ =	sdelay $0x1  }
0x1d3: {  	s17 =	spop (v2sf)  }
0x1d4: {  	s15 =	sadd.s32 s15, s17  }
0x1d5: {  	v5 =	vadd.s32 s15, v5  }
0x1d6: {  	v7, _, _ =	vpop (xrf0);
	(xrf0) =	vadd.scan.msk.s32 $0xffff, v8;
	[tilespmem:s13+$0x18A20] =	vst v5  }
0x1d7: {  	v5 =	vld [tilespmem:s16+$0x18A20];
	(v2sf) =	vpush v7, $0xF;
	_ =	sdelay $0x1  }
0x1d8: {  	s17 =	spop (v2sf)  }
0x1d9: {  	s15 =	sadd.s32 s15, s17  }
.Ltmp12:
0x1da: {  	v6 =	vadd.s32 s15, v6;
	(pc) =	sbr.rel @p0 .LBB2_23-.Ltmp12, $3  }
0x1db: {  	v9, _, _ =	vpop (xrf0);
	(xrf0) =	vadd.scan.msk.s32 $0xffff, v5;
	[tilespmem:s13+$0x18A30] =	vst v6;
	s13 =	smov.u32 s16  }
0x1dc: {  	v8 =	vsub.s32 v9, v8;
	v6 =	vld [tilespmem:s13+$0x18A30];
	(v2sf) =	vpush v9, $0xF;
	_ =	sdelay $0x1  }
0x1dd: {  	s16 =	spop (v2sf)  }
0x1de: {  	_ =	sdelay $0x1  }
0x1df: {  	(xrf0) =	vadd.scan.msk.s32 $0xffff, v6;
	_ =	sdelay $0x2  }
0x1e0: {  	v9, _, _ =	vpop (xrf0)  }
0x1e1: {  	(v2sf) =	vpush v9, $0xF;
	_ =	sdelay $0x1  }
0x1e2: {  	v10, _, _ =	vpop (xrf0)  }
0x1e3: {  	(v2sf) =	vpush v10, $0xF;
	_ =	sdelay $0x8  }
0x1e4: {  	s14 =	sadd.s32 s15, s16  }
0x1e5: {  	v4 =	vsub.s32 s14, v4;
	s28 =	spop (v2sf)  }
0x1e6: {  	v4 =	vadd.s32 v7, v4;
	s14 =	sadd.s32 s14, s28;
	s29 =	spop (v2sf)  }
0x1e7: {  	[tilespmem:s13+$0x18A00] =	vst v4;
	v4 =	vsub.s32 v9, v5;
	v5 =	vadd.s32 s14, v8;
	s14 =	sadd.s32 s14, s29;
	s30 =	spop (v2sf)  }
0x1e8: {  	[tilespmem:s13+$0x18A10] =	vst v5;
	v5 =	vsub.s32 v10, v6;
	v4 =	vadd.s32 s14, v4;
	s14 =	sadd.s32 s14, s30  }
0x1e9: {  	[tilespmem:s13+$0x18A20] =	vst v4;
	v4 =	vadd.s32 s14, v5  }
0x1ea: {  	[tilespmem:s13+$0x18A30] =	vst v4;
	s13 =	simm.s32 $0x4;
	s31 =	spop (v2sf)  }
.LBB2_25:
0x1eb: {  	s14 =	sadd.s32 $0xFFFFFFFC, s13  }
0x1ec: {  	v4 =	vadd.s32 s14, v2;
	_ =	sdelay $0x3  }
0x1ed: {  	s29 =	simm.s32 $0x0  }
0x1ee: {  	v5 =	vld.idx.msk [tilespmem:v4+s29+$0x0], $0xffff;
	_ =	sdelay $0x4  }
0x1ef: {  	v6 =	vshrl.u32 v5, $0x10  }
0x1f0: {  	v6 =	vand.u32 $0x3FF0, v6  }
0x1f1: {  	v6 =	vor.u32 v0, v6;
	_ =	sdelay $0x4  }
0x1f2: {  	v7 =	vld.idx.msk [tilespmem:v6+s9+$0x0], $0xffff;
	_ =	sdelay $0x3  }
0x1f3: {  	v4 =	vld.idx.msk [tilespmem:v4+s10+$0x0], $0xffff  }
0x1f4: {  	s15 =	sadd.s32 $0xFFFFFFFD, s13  }
0x1f5: {  	v8 =	vadd.s32 s15, v2;
	_ =	sdelay $0x1  }
0x1f6: {  	[tilespmem:v7+s7+$0x0] =	vst.idx.msk $0xffff, v5  }
0x1f7: {  	[tilespmem:v7+s11+$0x0] =	vst.idx.msk $0xffff, v4  }
0x1f8: {  	[tilespmem:v6+s9+$0x0] =	vst.idx.add.s32.msk $0xffff, v3  }
0x1f9: {  	v4 =	vld.idx.msk [tilespmem:v8+s29+$0x0], $0xffff;
	_ =	sdelay $0x4  }
0x1fa: {  	v5 =	vshrl.u32 v4, $0x10  }
0x1fb: {  	v5 =	vand.u32 $0x3FF0, v5  }
0x1fc: {  	v5 =	vor.u32 v0, v5;
	_ =	sdelay $0x4  }
0x1fd: {  	v6 =	vld.idx.msk [tilespmem:v5+s9+$0x0], $0xffff;
	_ =	sdelay $0x3  }
0x1fe: {  	v7 =	vld.idx.msk [tilespmem:v8+s10+$0x0], $0xffff  }
0x1ff: {  	s30 =	sadd.s32 $0xFFFFFFFE, s13  }
0x200: {  	v61 =	vadd.s32 s30, v2;
	_ =	sdelay $0x1  }
0x201: {  	[tilespmem:v6+s7+$0x0] =	vst.idx.msk $0xffff, v4  }
0x202: {  	[tilespmem:v6+s11+$0x0] =	vst.idx.msk $0xffff, v7  }
0x203: {  	[tilespmem:v5+s9+$0x0] =	vst.idx.add.s32.msk $0xffff, v3  }
0x204: {  	v4 =	vld.idx.msk [tilespmem:v61+s29+$0x0], $0xffff;
	_ =	sdelay $0x4  }
0x205: {  	v5 =	vshrl.u32 v4, $0x10  }
0x206: {  	v5 =	vand.u32 $0x3FF0, v5  }
0x207: {  	v5 =	vor.u32 v0, v5;
	_ =	sdelay $0x4  }
0x208: {  	v6 =	vld.idx.msk [tilespmem:v5+s9+$0x0], $0xffff;
	_ =	sdelay $0x3  }
0x209: {  	v7 =	vld.idx.msk [tilespmem:v61+s10+$0x0], $0xffff  }
0x20a: {  	s31 =	sadd.s32 $0xFFFFFFFF, s13  }
0x20b: {  	v62 =	vadd.s32 s31, v2;
	_ =	sdelay $0x1  }
0x20c: {  	[tilespmem:v6+s7+$0x0] =	vst.idx.msk $0xffff, v4  }
0x20d: {  	[tilespmem:v6+s11+$0x0] =	vst.idx.msk $0xffff, v7  }
0x20e: {  	[tilespmem:v5+s9+$0x0] =	vst.idx.add.s32.msk $0xffff, v3  }
0x20f: {  	v4 =	vld.idx.msk [tilespmem:v62+s29+$0x0], $0xffff;
	_ =	sdelay $0x4  }
0x210: {  	v5 =	vshrl.u32 v4, $0x10  }
0x211: {  	v5 =	vand.u32 $0x3FF0, v5  }
0x212: {  	v5 =	vor.u32 v0, v5;
	_ =	sdelay $0x4  }
0x213: {  	v6 =	vld.idx.msk [tilespmem:v5+s9+$0x0], $0xffff;
	_ =	sdelay $0x3  }
0x214: {  	v7 =	vld.idx.msk [tilespmem:v62+s10+$0x0], $0xffff;
	_ =	sdelay $0x1  }
0x215: {  	v63 =	vadd.s32 s13, v2;
	_ =	sdelay $0x1  }
0x216: {  	[tilespmem:v6+s7+$0x0] =	vst.idx.msk $0xffff, v4  }
0x217: {  	[tilespmem:v6+s11+$0x0] =	vst.idx.msk $0xffff, v7  }
0x218: {  	[tilespmem:v5+s9+$0x0] =	vst.idx.add.s32.msk $0xffff, v3  }
0x219: {  	v4 =	vld.idx.msk [tilespmem:v63+s29+$0x0], $0xffff;
	_ =	sdelay $0x4  }
0x21a: {  	v5 =	vshrl.u32 v4, $0x10  }
0x21b: {  	v5 =	vand.u32 $0x3FF0, v5  }
0x21c: {  	v5 =	vor.u32 v0, v5;
	_ =	sdelay $0x4  }
0x21d: {  	v6 =	vld.idx.msk [tilespmem:v5+s9+$0x0], $0xffff;
	_ =	sdelay $0x3  }
0x21e: {  	v7 =	vld.idx.msk [tilespmem:v63+s10+$0x0], $0xffff  }
0x21f: {  	p0 =	sne.s32 s13, $0x626  }
.Ltmp13:
0x220: {  	_ = 	snop;
	(pc) =	sbr.rel @p0 .LBB2_25-.Ltmp13, $4  }
0x221: {  	_ = 	snop  }
0x222: {  	[tilespmem:v6+s7+$0x0] =	vst.idx.msk $0xffff, v4  }
0x223: {  	[tilespmem:v6+s11+$0x0] =	vst.idx.msk $0xffff, v7  }
0x224: {  	s13 =	sadd.s32 $0x5, s13;
	[tilespmem:v5+s9+$0x0] =	vst.idx.add.s32.msk $0xffff, v3  }
0x225: {  	s13 =	simm.s32 $0x0  }
0x226: {  	v7 =	vld [tilespmem:s13+$0xC540]  }
0x227: {  	v8 =	vld [tilespmem:s13+$0xC500]  }
0x228: {  	v6 =	vld [tilespmem:s13+$0xC510]  }
0x229: {  	v4 =	vld [tilespmem:s13+$0xC520]  }
0x22a: {  	s14 =	simm.s32 $0x140;
	v5 =	vld [tilespmem:s13+$0xC530]  }
.LBB2_27:
0x22b: {  	s15 =	sshra.s32 s14, $0x2;
	p0 =	sne.s32 s14, $0x4D80;
	s14 =	sadd.s32 $0x140, s14;
	v9 =	vxor.u32 $0xFFFFFFFF, v7  }
.Ltmp14:
0x22c: {  	v7 =	vld [tilespmem:s15+$0xC540];
	v10 =	vxor.u32 $0xFFFFFFFF, v8;
	[tilespmem:s13+$0x40] =	vst v9;
	(pc) =	sbr.rel @p0 .LBB2_27-.Ltmp14, $4  }
0x22d: {  	v8 =	vld [tilespmem:s15+$0xC500];
	[tilespmem:s13+$0x0] =	vst v10;
	v9 =	vxor.u32 $0xFFFFFFFF, v6  }
0x22e: {  	v6 =	vld [tilespmem:s15+$0xC510];
	[tilespmem:s13+$0x10] =	vst v9;
	v9 =	vxor.u32 $0xFFFFFFFF, v4  }
0x22f: {  	v4 =	vld [tilespmem:s15+$0xC520];
	[tilespmem:s13+$0x20] =	vst v9;
	v9 =	vxor.u32 $0xFFFFFFFF, v5  }
0x230: {  	v5 =	vld [tilespmem:s15+$0xC530];
	[tilespmem:s13+$0x30] =	vst v9;
	s13 =	smov.u32 s15  }
0x231: {  	v7 =	vxor.u32 $0xFFFFFFFF, v7  }
0x232: {  	v8 =	vxor.u32 $0xFFFFFFFF, v8;
	[tilespmem:s13+$0x40] =	vst v7  }
0x233: {  	[tilespmem:s13+$0x0] =	vst v8;
	v6 =	vxor.u32 $0xFFFFFFFF, v6  }
0x234: {  	[tilespmem:s13+$0x10] =	vst v6;
	v4 =	vxor.u32 $0xFFFFFFFF, v4  }
0x235: {  	[tilespmem:s13+$0x20] =	vst v4;
	v4 =	vxor.u32 $0xFFFFFFFF, v5  }
0x236: {  	[tilespmem:s13+$0x30] =	vst v4;
	s13 =	simm.s32 $0x0  }
0x237: {  	[hbm4b:s3+s13] =	stream.linear.scatter [tilespmem:s13], [sflag:$0x1], $0x13B0, $0x38;
	[tilespmem:$0x1CA00] =	vst v63  }
0x238: {  	_ =	swait.ge [sflag:s8], $0x13B0  }
0x239: {  	[sflag:s8] =	ssyncset.done $0x0  }
0x23a: {  	s15 =	simm.s32 $0x140;
	s14 =	simm.s32 $0x0;
	[sflag:s8] =	ssyncadd.s32 $0xFFFFEC50  }
.LBB2_29:
0x23b: {  	p0 =	sne.s32 s15, $0x18880;
	[tilespmem:s14+$0x62C0] =	vst v1;
	s16 =	smov.u32 s15;
	s15 =	sadd.s32 $0x140, s15  }
.Ltmp15:
0x23c: {  	[tilespmem:s14+$0x62B0] =	vst v1;
	(pc) =	sbr.rel @p0 .LBB2_29-.Ltmp15, $4  }
0x23d: {  	[tilespmem:s14+$0x62A0] =	vst v1  }
0x23e: {  	[tilespmem:s14+$0x6280] =	vst v1  }
0x23f: {  	[tilespmem:s14+$0x6290] =	vst v1  }
0x240: {  	s14 =	sshra.s32 s16, $0x2  }
0x241: {  	[tilespmem:s14+$0x62C0] =	vst v1  }
0x242: {  	[tilespmem:s14+$0x62B0] =	vst v1  }
0x243: {  	[tilespmem:s14+$0x62A0] =	vst v1  }
0x244: {  	[tilespmem:s14+$0x6280] =	vst v1  }
0x245: {  	[tilespmem:s14+$0x6290] =	vst v1  }
.LBB2_31:
0x246: {  	s14 =	sshra.s32 s13, $0x2  }
0x247: {  	v4 =	vld [tilespmem:s14+$0x12780];
	_ =	sdelay $0x1  }
0x248: {  	v5 =	vld [tilespmem:s14+$0xC500];
	_ =	sdelay $0x4  }
0x249: {  	v5 =	vxor.u32 $0xFFFFFFFF, v5  }
0x24a: {  	[tilespmem:v4+s10+$0x0] =	vst.idx.msk $0xffff, v5  }
0x24b: {  	v4 =	vld [tilespmem:s14+$0x12790];
	_ =	sdelay $0x1  }
0x24c: {  	v5 =	vld [tilespmem:s14+$0xC510];
	_ =	sdelay $0x4  }
0x24d: {  	v5 =	vxor.u32 $0xFFFFFFFF, v5  }
0x24e: {  	[tilespmem:v4+s10+$0x0] =	vst.idx.msk $0xffff, v5  }
0x24f: {  	v4 =	vld [tilespmem:s14+$0x127A0];
	_ =	sdelay $0x1  }
0x250: {  	v5 =	vld [tilespmem:s14+$0xC520];
	_ =	sdelay $0x4  }
0x251: {  	v5 =	vxor.u32 $0xFFFFFFFF, v5  }
0x252: {  	[tilespmem:v4+s10+$0x0] =	vst.idx.msk $0xffff, v5  }
0x253: {  	v4 =	vld [tilespmem:s14+$0x127B0];
	_ =	sdelay $0x1  }
0x254: {  	v5 =	vld [tilespmem:s14+$0xC530];
	_ =	sdelay $0x4  }
0x255: {  	v5 =	vxor.u32 $0xFFFFFFFF, v5  }
0x256: {  	[tilespmem:v4+s10+$0x0] =	vst.idx.msk $0xffff, v5  }
0x257: {  	v4 =	vld [tilespmem:s14+$0x127C0];
	_ =	sdelay $0x1  }
0x258: {  	v5 =	vld [tilespmem:s14+$0xC540]  }
0x259: {  	p0 =	sne.s32 s13, $0x4D80  }
.Ltmp16:
0x25a: {  	_ = 	snop;
	(pc) =	sbr.rel @p0 .LBB2_31-.Ltmp16, $3  }
0x25b: {  	_ =	sdelay $0x1  }
0x25c: {  	v5 =	vxor.u32 $0xFFFFFFFF, v5  }
0x25d: {  	s13 =	sadd.s32 $0x140, s13;
	[tilespmem:v4+s10+$0x0] =	vst.idx.msk $0xffff, v5  }
0x25e: {  	s12 =	sadd.s32 $0x1, s12  }
0x25f: {  	p0 =	sne.s32 s12, s6  }
.Ltmp17:
0x260: {  	_ = 	snop;
	(pc) =	sbr.rel @p0 .LBB2_2-.Ltmp17, $4  }
0x261: {  	[hbm4b:s4+s2] =	stream.linear.scatter [tilespmem:s10], [sflag:$0x1], $0x6270, $0x38;
	[tilespmem:$0x1CA00] =	vst v63  }
0x262: {  	_ =	swait.ge [sflag:s8], $0x6270  }
0x263: {  	[sflag:s8] =	ssyncset.done $0x0  }
0x264: {  	[sflag:s8] =	ssyncadd.s32 $0xFFFF9D90  }
.LBB2_33:
0x265: {  	_ =	sfence.sel $0x180000  }
0x266: {  	[bflag:$0x0] =	sbarrier.arrive $0xFFFF  }
0x267: {  	p0 =	sne.s32 s1, $0x0;
	_ =	strace $0x90000047  }
0x268: {  	s0 =	sadd.s32 @!p0 $0x100000, s0;
	[bflag:$0x2] =	sbarrier.arrive $0xFFFF  }
0x269: {  	[sflag:s0] =	ssyncadd.tile.s32 @!p0 $0x1;
	_ =	shalt  }
.Lfunc_end2:
_tile_overlayer_lowered:
.L_overlay_start_2:
0x26a: {  	(tag) =	ssettag $0x2  }
0x26b: {  	s0 =	rddreg [dreg:$0x0];
	s2 =	stileid.u32  }
0x26c: {  	s1 =	rddreg [dreg:$0x1];
	p0 =	sne.s32 s2, $0x0  }
0x26d: {  	s3 =	rddreg [dreg:$0x2];
	[bflag:$0x3] =	sbarrier.arrive $0xFFFF;
	s2 =	simm.s32 @!p0 $0x1C01  }
0x26e: {  	[timem:s3], [sflag:s2] =	dma.local @!p0 [hbm:s0], s1  }
0x26f: {  	s0 =	simm.s32 @!p0 $0x1  }
0x270: {  	_ =	swait.ge @!p0 [sflag:s0], s1  }
0x271: {  	s1 =	ssub.s32 @!p0 $0x0, s1;
	[sflag:s0] =	ssyncset.done @!p0 $0x0  }
0x272: {  	[sflag:s0] =	ssyncadd.s32 @!p0 s1  }
0x273: {  	[bflag:$0x3] =	sbarrier.arrive $0xFFFF  }
0x274: {  	_ =	shalt  }

</sc_bundles>
